<compile_context>
chip_gen: v7x
topology: tpu7x:2x2x1
jax: 0.10.2.dev20260603
libtpu: 0.0.44.dev20260713+nightly
codegen_flags: <defaults>
</compile_context>

<pallas_src>
import functools

import jax
import jax.numpy as jnp
from jax import lax
from jax.experimental import pallas as pl
from jax.experimental.pallas import tpu as pltpu
from jax.experimental.pallas import tpu_sc as plsc

_LANES = 16
_ROWS = 128


_Q = (0.9969052801505341, -0.44191002248311095, 0.1399197892294)


@functools.lru_cache(maxsize=None)
def _make_sc_gather_softplus(V, D, n_chunks, nrow):
    info = plsc.get_sparse_core_info()
    NC, NS = info.num_cores, info.num_subcores
    NW = NC * NS
    total = n_chunks * nrow
    mesh = plsc.VectorSubcoreMesh(core_axis_name="c", subcore_axis_name="s")

    @functools.partial(
        pl.kernel,
        mesh=mesh,
        out_type=jax.ShapeDtypeStruct((total, D), jnp.float32),
        compiler_params=pltpu.CompilerParams(needs_layout_passes=False),
        scratch_types=[
            pltpu.VMEM((n_chunks, _ROWS), jnp.int32),
            pltpu.VMEM((_ROWS, D), jnp.float32),
            pltpu.VMEM((_ROWS, D), jnp.float32),
            pltpu.VMEM((_ROWS, D), jnp.float32),
            pltpu.VMEM((_ROWS, D), jnp.float32),
            pltpu.VMEM((_ROWS, D), jnp.float32),
            pltpu.VMEM((_ROWS, D), jnp.float32),
            pltpu.SemaphoreType.DMA,
            pltpu.SemaphoreType.DMA,
            pltpu.SemaphoreType.DMA,
            pltpu.SemaphoreType.DMA,
            pltpu.SemaphoreType.DMA,
            pltpu.SemaphoreType.DMA,
        ],
    )
    def sc_kernel(emb_hbm, idx_hbm, out_hbm, idx_v, in0, in1, in2,
                  out0, out1, out2, sg0, sg1, sg2, so0, so1, so2):
        wid = lax.axis_index("s") * NC + lax.axis_index("c")
        col0 = wid * _ROWS
        pltpu.sync_copy(idx_hbm.at[:, pl.ds(col0, _ROWS)], idx_v)

        ins = (in0, in1, in2)
        outs = (out0, out1, out2)
        sgs = (sg0, sg1, sg2)
        sos = (so0, so1, so2)

        def g_copy(j, p):
            return pltpu.make_async_copy(
                emb_hbm.at[idx_v.at[j]], ins[p], sgs[p])

        def o_copy(j, p):
            return pltpu.make_async_copy(
                outs[p], out_hbm.at[pl.ds(j * nrow + col0, _ROWS)], sos[p])

        g_copy(0, 0).start()
        g_copy(1, 1).start()
        g_copy(2, 2).start()

        def compute(src, dst):
            def row(r, carry):
                for k in range(D // (2 * _LANES)):
                    sl_a = pl.ds(2 * k * _LANES, _LANES)
                    sl_b = pl.ds((2 * k + 1) * _LANES, _LANES)
                    xa = src[r, sl_a]
                    xb = src[r, sl_b]
                    x = plsc.pack(xa, xb, format=plsc.PackFormat.INTERLEAVED)
                    neg_abs = lax.bitcast_convert_type(
                        lax.bitcast_convert_type(x, jnp.int16)
                        | jnp.int16(-32768), jnp.bfloat16)
                    z = jnp.exp(neg_abs)
                    q = (_Q[2] * z + _Q[1]) * z + _Q[0]
                    res = jnp.maximum(x, 0) + z * q
                    ra, rb = plsc.unpack(
                        res, format=plsc.PackFormat.INTERLEAVED)
                    dst[r, sl_a] = ra
                    dst[r, sl_b] = rb
                return carry
            lax.fori_loop(0, _ROWS, row, 0)

        nbuf = 3

        def step(i, carry):
            for p in range(nbuf):
                j = nbuf * i + p
                g_copy(j, p).wait()

                @pl.when(i >= 1)
                def _():
                    o_copy(j - nbuf, p).wait()

                compute(ins[p], outs[p])
                o_copy(j, p).start()

                @pl.when(j + nbuf < n_chunks)
                def _():
                    g_copy(j + nbuf, p).start()
            return carry

        lax.fori_loop(0, n_chunks // nbuf, step, 0)
        tail = n_chunks - n_chunks // nbuf * nbuf
        for t in range(tail):
            j = n_chunks // nbuf * nbuf + t
            g_copy(j, t).wait()
            o_copy(j - nbuf, t).wait()
            compute(ins[t], outs[t])
            o_copy(j, t).start()
        for p in range(nbuf):
            o_copy(n_chunks - nbuf + p, (n_chunks - nbuf + p) % nbuf).wait()

    return sc_kernel, NW


def kernel(word, emb):
    B, H = word.shape
    V, D = emb.shape
    sc_fn, NW = _make_sc_gather_softplus(V, D, H, B)
    idx = word.T.astype(jnp.int32)
    out = sc_fn(emb, idx)
    return out.reshape(H, B, D).transpose(1, 0, 2)

# --- scband reference (transcript-rebuilt; emitter-appended) ---
"""Pipeline reference for scband-prior-sigma-57269093925554 (READ-ONLY COPY).

The authoritative reference and input builder live on the scoring server;
editing this copy changes nothing except your own understanding.
"""

import jax, jax.numpy as jnp
import numpy as np

VOCAB = 100000
EMBED = 128
BATCH = 4096
HIST = 50

def setup_inputs(seed: int = 0) -> dict:
    key = jax.random.key(seed)
    k1, k2 = jax.random.split(key)
    word = jax.random.randint(k1, (BATCH, HIST), 0, VOCAB, dtype=jnp.int64 if jax.config.jax_enable_x64 else jnp.int32)
    emb = jax.random.normal(k2, (VOCAB, EMBED), dtype=jnp.float32) * 0.02
    return {"word": word, "emb": emb}

def reference(word, emb):
    # nn.Embedding lookup -> gather rows
    gathered = jnp.take(emb, word, axis=0)  # [B, L, D]
    # Softplus
    out = jax.nn.softplus(gathered)
    # .squeeze() removes all size-1 dims (no-op here)
    return jnp.squeeze(out)

if __name__ == "__main__":
    import jax
    _d = setup_inputs()
    print(jax.jit(kernel)(*tuple(_d.values())))

</pallas_src>

<mosaic_0001>
#map = affine_map<(d0, d1) -> (0, 0)>
module attributes {stable_mosaic.version = 14 : i64} {
  func.func @sc_kernel(%arg0: i32, %arg1: i32, %arg2: memref<100000x128xf32, #tpu.memory_space<hbm>>, %arg3: memref<50x4096xi32, #tpu.memory_space<hbm>>, %arg4: memref<204800x128xf32, #tpu.memory_space<hbm>>, %arg5: memref<50x128xi32, #tpu.memory_space<vmem>>, %arg6: memref<128x128xf32, #tpu.memory_space<vmem>>, %arg7: memref<128x128xf32, #tpu.memory_space<vmem>>, %arg8: memref<128x128xf32, #tpu.memory_space<vmem>>, %arg9: memref<128x128xf32, #tpu.memory_space<vmem>>, %arg10: memref<128x128xf32, #tpu.memory_space<vmem>>, %arg11: memref<128x128xf32, #tpu.memory_space<vmem>>, %arg12: memref<!tpu.dma_semaphore, #tpu.memory_space<semaphore_mem>>, %arg13: memref<!tpu.dma_semaphore, #tpu.memory_space<semaphore_mem>>, %arg14: memref<!tpu.dma_semaphore, #tpu.memory_space<semaphore_mem>>, %arg15: memref<!tpu.dma_semaphore, #tpu.memory_space<semaphore_mem>>, %arg16: memref<!tpu.dma_semaphore, #tpu.memory_space<semaphore_mem>>, %arg17: memref<!tpu.dma_semaphore, #tpu.memory_space<semaphore_mem>>) attributes {dimension_semantics = [#tpu.dimension_semantics<core_parallel>, #tpu.dimension_semantics<subcore_parallel>], iteration_bounds = array<i64: 2, 16>, scalar_prefetch = 0 : i64, scratch_operands = 13 : i64, tpu.core_type = #tpu.core_type<sc_vector_subcore>, window_params = [{transform_indices = #map}, {transform_indices = #map}, {transform_indices = #map}]} {
    %mul3A = arith.constant 2 : i32
    %mul3A_0 = arith.muli %arg1, %mul3A : i32
    %add3A = arith.addi %mul3A_0, %arg0 : i32
    %mul3A_1 = arith.constant 128 : i32
    %mul3A_2 = arith.muli %add3A, %mul3A_1 : i32
    "tpu.region"() ({
      %run_scoped3A = tpu.sem_alloc : memref<!tpu.dma_semaphore, #tpu.memory_space<semaphore_mem>>
      %dma_start3A_95 = arith.constant 0 : i32
      %dma_start3A_96 = tpu.memref_slice %arg3[%dma_start3A_95, %mul3A_2] : memref<50x4096xi32, #tpu.memory_space<hbm>> -> memref<50x128xi32, #tpu.memory_space<hbm>>
      %dma_start3A_97 = arith.constant 0 : i32
      %dma_start3A_98 = tpu.memref_slice %arg3[%dma_start3A_97, %mul3A_2] : memref<50x4096xi32, #tpu.memory_space<hbm>> -> memref<50x128xi32, #tpu.memory_space<hbm>>
      tpu.enqueue_dma source(%dma_start3A_98 : memref<50x128xi32, #tpu.memory_space<hbm>>) target(%arg5 : memref<50x128xi32, #tpu.memory_space<vmem>>) target_semaphore(%run_scoped3A : memref<!tpu.dma_semaphore, #tpu.memory_space<semaphore_mem>>)
      %dma_wait3A_99 = arith.constant 0 : i32
      %dma_wait3A_100 = tpu.memref_slice %arg3[%dma_wait3A_99, %mul3A_2] : memref<50x4096xi32, #tpu.memory_space<hbm>> -> memref<50x128xi32, #tpu.memory_space<hbm>>
      %dma_wait3A_101 = arith.constant 0 : i32
      %dma_wait3A_102 = tpu.memref_slice %arg3[%dma_wait3A_101, %mul3A_2] : memref<50x4096xi32, #tpu.memory_space<hbm>> -> memref<50x128xi32, #tpu.memory_space<hbm>>
      tpu.wait_dma2 semaphore(%run_scoped3A : memref<!tpu.dma_semaphore, #tpu.memory_space<semaphore_mem>>) src(%dma_wait3A_102 : memref<50x128xi32, #tpu.memory_space<hbm>>) dst(%arg5 : memref<50x128xi32, #tpu.memory_space<vmem>>)
      tpu.yield
    }) : () -> ()
    %dma_start3A = arith.constant 0 : i32
    %dma_start3A_3 = arith.constant 0 : i32
    %dma_start3A_4 = tpu.memref_slice %arg5[%dma_start3A, %dma_start3A_3] : memref<50x128xi32, #tpu.memory_space<vmem>> -> memref<1x128xi32, #tpu.memory_space<vmem>>
    %dma_start3A_5 = tpu.memref_squeeze %dma_start3A_4 : memref<1x128xi32, #tpu.memory_space<vmem>> -> memref<128xi32, #tpu.memory_space<vmem>>
    %dma_start3A_6 = arith.constant 0 : i32
    %dma_start3A_7 = arith.constant 0 : i32
    %dma_start3A_8 = tpu.memref_slice %arg2[%dma_start3A_6, %dma_start3A_7] : memref<100000x128xf32, #tpu.memory_space<hbm>> -> memref<100000x128xf32, #tpu.memory_space<hbm>>
    tpu.enqueue_indirect_dma source(%dma_start3A_8 : memref<100000x128xf32, #tpu.memory_space<hbm>>) target(%arg6 : memref<128x128xf32, #tpu.memory_space<vmem>>) offsets(%dma_start3A_5 : memref<128xi32, #tpu.memory_space<vmem>>) semaphore(%arg12 : memref<!tpu.dma_semaphore, #tpu.memory_space<semaphore_mem>>)
    %dma_start3A_9 = arith.constant 1 : i32
    %dma_start3A_10 = arith.constant 0 : i32
    %dma_start3A_11 = tpu.memref_slice %arg5[%dma_start3A_9, %dma_start3A_10] : memref<50x128xi32, #tpu.memory_space<vmem>> -> memref<1x128xi32, #tpu.memory_space<vmem>>
    %dma_start3A_12 = tpu.memref_squeeze %dma_start3A_11 : memref<1x128xi32, #tpu.memory_space<vmem>> -> memref<128xi32, #tpu.memory_space<vmem>>
    %dma_start3A_13 = arith.constant 0 : i32
    %dma_start3A_14 = arith.constant 0 : i32
    %dma_start3A_15 = tpu.memref_slice %arg2[%dma_start3A_13, %dma_start3A_14] : memref<100000x128xf32, #tpu.memory_space<hbm>> -> memref<100000x128xf32, #tpu.memory_space<hbm>>
    tpu.enqueue_indirect_dma source(%dma_start3A_15 : memref<100000x128xf32, #tpu.memory_space<hbm>>) target(%arg7 : memref<128x128xf32, #tpu.memory_space<vmem>>) offsets(%dma_start3A_12 : memref<128xi32, #tpu.memory_space<vmem>>) semaphore(%arg13 : memref<!tpu.dma_semaphore, #tpu.memory_space<semaphore_mem>>)
    %dma_start3A_16 = arith.constant 2 : i32
    %dma_start3A_17 = arith.constant 0 : i32
    %dma_start3A_18 = tpu.memref_slice %arg5[%dma_start3A_16, %dma_start3A_17] : memref<50x128xi32, #tpu.memory_space<vmem>> -> memref<1x128xi32, #tpu.memory_space<vmem>>
    %dma_start3A_19 = tpu.memref_squeeze %dma_start3A_18 : memref<1x128xi32, #tpu.memory_space<vmem>> -> memref<128xi32, #tpu.memory_space<vmem>>
    %dma_start3A_20 = arith.constant 0 : i32
    %dma_start3A_21 = arith.constant 0 : i32
    %dma_start3A_22 = tpu.memref_slice %arg2[%dma_start3A_20, %dma_start3A_21] : memref<100000x128xf32, #tpu.memory_space<hbm>> -> memref<100000x128xf32, #tpu.memory_space<hbm>>
    tpu.enqueue_indirect_dma source(%dma_start3A_22 : memref<100000x128xf32, #tpu.memory_space<hbm>>) target(%arg8 : memref<128x128xf32, #tpu.memory_space<vmem>>) offsets(%dma_start3A_19 : memref<128xi32, #tpu.memory_space<vmem>>) semaphore(%arg14 : memref<!tpu.dma_semaphore, #tpu.memory_space<semaphore_mem>>)
    %scan3A = arith.constant 0 : i32
    %scan3A_23 = arith.constant 0 : i32
    %scan3A_24 = arith.constant 16 : i32
    %scan3A_25 = arith.addi %scan3A_23, %scan3A_24 : i32
    %scan3A_26 = arith.constant 1 : i32
    scf.for %scan3A_95 = %scan3A_23 to %scan3A_25 step %scan3A_26  : i32 {
      %mul3A_96 = arith.constant 3 : i32
      %mul3A_97 = arith.muli %mul3A_96, %scan3A_95 : i32
      %add3A_98 = arith.constant 0 : i32
      %add3A_99 = arith.addi %mul3A_97, %add3A_98 : i32
      %dma_wait3A_100 = arith.constant 0 : i32
      %dma_wait3A_101 = tpu.memref_slice %arg5[%add3A_99, %dma_wait3A_100] : memref<50x128xi32, #tpu.memory_space<vmem>> -> memref<1x128xi32, #tpu.memory_space<vmem>>
      %dma_wait3A_102 = tpu.memref_squeeze %dma_wait3A_101 : memref<1x128xi32, #tpu.memory_space<vmem>> -> memref<128xi32, #tpu.memory_space<vmem>>
      %dma_wait3A_103 = arith.constant 0 : i32
      %dma_wait3A_104 = arith.constant 0 : i32
      %dma_wait3A_105 = tpu.memref_slice %arg2[%dma_wait3A_103, %dma_wait3A_104] : memref<100000x128xf32, #tpu.memory_space<hbm>> -> memref<100000x128xf32, #tpu.memory_space<hbm>>
      tpu.wait_indirect_dma semaphore(%arg12 : memref<!tpu.dma_semaphore, #tpu.memory_space<semaphore_mem>>) src(%dma_wait3A_105 : memref<100000x128xf32, #tpu.memory_space<hbm>>) dst(%arg6 : memref<128x128xf32, #tpu.memory_space<vmem>>)
      %ge3A = arith.constant 1 : i32
      %ge3A_106 = arith.cmpi sge, %scan3A_95, %ge3A : i32
      %convert_element_type3A = arith.extui %ge3A_106 : i1 to i32
      %cond3A = arith.constant 0 : i32
      %cond3A_107 = arith.cmpi ne, %convert_element_type3A, %cond3A : i32
      scf.if %cond3A_107 {
        %sub3A = arith.constant 3 : i32
        %sub3A_197 = arith.subi %add3A_99, %sub3A : i32
        %mul3A_198 = arith.constant 4096 : i32
        %mul3A_199 = arith.muli %sub3A_197, %mul3A_198 : i32
        %add3A_200 = arith.addi %mul3A_199, %mul3A_2 : i32
        %dma_wait3A_201 = arith.constant 0 : i32
        %dma_wait3A_202 = tpu.memref_slice %arg4[%add3A_200, %dma_wait3A_201] : memref<204800x128xf32, #tpu.memory_space<hbm>> -> memref<128x128xf32, #tpu.memory_space<hbm>>
        %dma_wait3A_203 = arith.constant 0 : i32
        %dma_wait3A_204 = tpu.memref_slice %arg4[%add3A_200, %dma_wait3A_203] : memref<204800x128xf32, #tpu.memory_space<hbm>> -> memref<128x128xf32, #tpu.memory_space<hbm>>
        tpu.wait_dma2 semaphore(%arg15 : memref<!tpu.dma_semaphore, #tpu.memory_space<semaphore_mem>>) src(%arg9 : memref<128x128xf32, #tpu.memory_space<vmem>>) dst(%dma_wait3A_204 : memref<128x128xf32, #tpu.memory_space<hbm>>)
      } else {
      }
      %scan3A_108 = arith.constant 0 : i32
      %scan3A_109 = arith.constant 0 : i32
      %scan3A_110 = arith.constant 128 : i32
      %scan3A_111 = arith.addi %scan3A_109, %scan3A_110 : i32
      %scan3A_112 = arith.constant 1 : i32
      scf.for %scan3A_197 = %scan3A_109 to %scan3A_111 step %scan3A_112  : i32 {
        %get3A = arith.index_cast %scan3A_197 : i32 to index
        %get3A_198 = arith.constant 0 : index
        %get3A_199 = tpu.vector_load %arg6[%get3A, %get3A_198] {strides = array<i32>} : memref<128x128xf32, #tpu.memory_space<vmem>>, vector<16xf32>,
        %get3A_200 = arith.index_cast %scan3A_197 : i32 to index
        %get3A_201 = arith.constant 16 : index
        %get3A_202 = tpu.vector_load %arg6[%get3A_200, %get3A_201] {strides = array<i32>} : memref<128x128xf32, #tpu.memory_space<vmem>>, vector<16xf32>,
        %pack3A = tpu.pack_subelements %get3A_199, %get3A_202 {pack_format = #tpu.pack_format<interleaved>, positions = array<i32: 0, 1>} : vector<16xf32>, vector<16xf32> -> vector<32xbf16>
        %bitcast_convert_type3A = tpu.bitcast %pack3A : vector<32xbf16> -> vector<32xi16>
        %or3A = arith.constant -32768 : i16
        %or3A_203 = vector.broadcast %or3A : i16 to vector<32xi16>
        %or3A_204 = arith.ori %bitcast_convert_type3A, %or3A_203 : vector<32xi16>
        %bitcast_convert_type3A_205 = tpu.bitcast %or3A_204 : vector<32xi16> -> vector<32xbf16>
        %exp3A = math.exp %bitcast_convert_type3A_205 : vector<32xbf16>
        %mul3A_206 = arith.constant 1.396480e-01 : bf16
        %mul3A_207 = vector.broadcast %mul3A_206 : bf16 to vector<32xbf16>
        %mul3A_208 = arith.mulf %mul3A_207, %exp3A : vector<32xbf16>
        %add3A_209 = arith.constant -4.414060e-01 : bf16
        %add3A_210 = vector.broadcast %add3A_209 : bf16 to vector<32xbf16>
        %add3A_211 = arith.addf %mul3A_208, %add3A_210 : vector<32xbf16>
        %mul3A_212 = arith.mulf %add3A_211, %exp3A : vector<32xbf16>
        %add3A_213 = arith.constant 9.960930e-01 : bf16
        %add3A_214 = vector.broadcast %add3A_213 : bf16 to vector<32xbf16>
        %add3A_215 = arith.addf %mul3A_212, %add3A_214 : vector<32xbf16>
        %max3A = arith.constant 0.000000e+00 : bf16
        %max3A_216 = vector.broadcast %max3A : bf16 to vector<32xbf16>
        %max3A_217 = arith.maximumf %pack3A, %max3A_216 : vector<32xbf16>
        %mul3A_218 = arith.mulf %exp3A, %add3A_215 : vector<32xbf16>
        %add3A_219 = arith.addf %max3A_217, %mul3A_218 : vector<32xbf16>
        %unpack3A = tpu.unpack_subelements %add3A_219, 0 {pack_format = #tpu.pack_format<interleaved>} : vector<32xbf16> -> vector<16xf32>
        %unpack3A_220 = tpu.unpack_subelements %add3A_219, 1 {pack_format = #tpu.pack_format<interleaved>} : vector<32xbf16> -> vector<16xf32>
        %swap3A = arith.index_cast %scan3A_197 : i32 to index
        %swap3A_221 = arith.constant 0 : index
        %swap3A_222 = tpu.vector_load %arg9[%swap3A, %swap3A_221] {strides = array<i32>} : memref<128x128xf32, #tpu.memory_space<vmem>>, vector<16xf32>,
        tpu.vector_store %arg9[%swap3A, %swap3A_221], %unpack3A {strides = array<i32>} : memref<128x128xf32, #tpu.memory_space<vmem>>, vector<16xf32>,
        %swap3A_223 = arith.index_cast %scan3A_197 : i32 to index
        %swap3A_224 = arith.constant 16 : index
        %swap3A_225 = tpu.vector_load %arg9[%swap3A_223, %swap3A_224] {strides = array<i32>} : memref<128x128xf32, #tpu.memory_space<vmem>>, vector<16xf32>,
        tpu.vector_store %arg9[%swap3A_223, %swap3A_224], %unpack3A_220 {strides = array<i32>} : memref<128x128xf32, #tpu.memory_space<vmem>>, vector<16xf32>,
        %get3A_226 = arith.index_cast %scan3A_197 : i32 to index
        %get3A_227 = arith.constant 32 : index
        %get3A_228 = tpu.vector_load %arg6[%get3A_226, %get3A_227] {strides = array<i32>} : memref<128x128xf32, #tpu.memory_space<vmem>>, vector<16xf32>,
        %get3A_229 = arith.index_cast %scan3A_197 : i32 to index
        %get3A_230 = arith.constant 48 : index
        %get3A_231 = tpu.vector_load %arg6[%get3A_229, %get3A_230] {strides = array<i32>} : memref<128x128xf32, #tpu.memory_space<vmem>>, vector<16xf32>,
        %pack3A_232 = tpu.pack_subelements %get3A_228, %get3A_231 {pack_format = #tpu.pack_format<interleaved>, positions = array<i32: 0, 1>} : vector<16xf32>, vector<16xf32> -> vector<32xbf16>
        %bitcast_convert_type3A_233 = tpu.bitcast %pack3A_232 : vector<32xbf16> -> vector<32xi16>
        %or3A_234 = arith.constant -32768 : i16
        %or3A_235 = vector.broadcast %or3A_234 : i16 to vector<32xi16>
        %or3A_236 = arith.ori %bitcast_convert_type3A_233, %or3A_235 : vector<32xi16>
        %bitcast_convert_type3A_237 = tpu.bitcast %or3A_236 : vector<32xi16> -> vector<32xbf16>
        %exp3A_238 = math.exp %bitcast_convert_type3A_237 : vector<32xbf16>
        %mul3A_239 = arith.constant 1.396480e-01 : bf16
        %mul3A_240 = vector.broadcast %mul3A_239 : bf16 to vector<32xbf16>
        %mul3A_241 = arith.mulf %mul3A_240, %exp3A_238 : vector<32xbf16>
        %add3A_242 = arith.constant -4.414060e-01 : bf16
        %add3A_243 = vector.broadcast %add3A_242 : bf16 to vector<32xbf16>
        %add3A_244 = arith.addf %mul3A_241, %add3A_243 : vector<32xbf16>
        %mul3A_245 = arith.mulf %add3A_244, %exp3A_238 : vector<32xbf16>
        %add3A_246 = arith.constant 9.960930e-01 : bf16
        %add3A_247 = vector.broadcast %add3A_246 : bf16 to vector<32xbf16>
        %add3A_248 = arith.addf %mul3A_245, %add3A_247 : vector<32xbf16>
        %max3A_249 = arith.constant 0.000000e+00 : bf16
        %max3A_250 = vector.broadcast %max3A_249 : bf16 to vector<32xbf16>
        %max3A_251 = arith.maximumf %pack3A_232, %max3A_250 : vector<32xbf16>
        %mul3A_252 = arith.mulf %exp3A_238, %add3A_248 : vector<32xbf16>
        %add3A_253 = arith.addf %max3A_251, %mul3A_252 : vector<32xbf16>
        %unpack3A_254 = tpu.unpack_subelements %add3A_253, 0 {pack_format = #tpu.pack_format<interleaved>} : vector<32xbf16> -> vector<16xf32>
        %unpack3A_255 = tpu.unpack_subelements %add3A_253, 1 {pack_format = #tpu.pack_format<interleaved>} : vector<32xbf16> -> vector<16xf32>
        %swap3A_256 = arith.index_cast %scan3A_197 : i32 to index
        %swap3A_257 = arith.constant 32 : index
        %swap3A_258 = tpu.vector_load %arg9[%swap3A_256, %swap3A_257] {strides = array<i32>} : memref<128x128xf32, #tpu.memory_space<vmem>>, vector<16xf32>,
        tpu.vector_store %arg9[%swap3A_256, %swap3A_257], %unpack3A_254 {strides = array<i32>} : memref<128x128xf32, #tpu.memory_space<vmem>>, vector<16xf32>,
        %swap3A_259 = arith.index_cast %scan3A_197 : i32 to index
        %swap3A_260 = arith.constant 48 : index
        %swap3A_261 = tpu.vector_load %arg9[%swap3A_259, %swap3A_260] {strides = array<i32>} : memref<128x128xf32, #tpu.memory_space<vmem>>, vector<16xf32>,
        tpu.vector_store %arg9[%swap3A_259, %swap3A_260], %unpack3A_255 {strides = array<i32>} : memref<128x128xf32, #tpu.memory_space<vmem>>, vector<16xf32>,
        %get3A_262 = arith.index_cast %scan3A_197 : i32 to index
        %get3A_263 = arith.constant 64 : index
        %get3A_264 = tpu.vector_load %arg6[%get3A_262, %get3A_263] {strides = array<i32>} : memref<128x128xf32, #tpu.memory_space<vmem>>, vector<16xf32>,
        %get3A_265 = arith.index_cast %scan3A_197 : i32 to index
        %get3A_266 = arith.constant 80 : index
        %get3A_267 = tpu.vector_load %arg6[%get3A_265, %get3A_266] {strides = array<i32>} : memref<128x128xf32, #tpu.memory_space<vmem>>, vector<16xf32>,
        %pack3A_268 = tpu.pack_subelements %get3A_264, %get3A_267 {pack_format = #tpu.pack_format<interleaved>, positions = array<i32: 0, 1>} : vector<16xf32>, vector<16xf32> -> vector<32xbf16>
        %bitcast_convert_type3A_269 = tpu.bitcast %pack3A_268 : vector<32xbf16> -> vector<32xi16>
        %or3A_270 = arith.constant -32768 : i16
        %or3A_271 = vector.broadcast %or3A_270 : i16 to vector<32xi16>
        %or3A_272 = arith.ori %bitcast_convert_type3A_269, %or3A_271 : vector<32xi16>
        %bitcast_convert_type3A_273 = tpu.bitcast %or3A_272 : vector<32xi16> -> vector<32xbf16>
        %exp3A_274 = math.exp %bitcast_convert_type3A_273 : vector<32xbf16>
        %mul3A_275 = arith.constant 1.396480e-01 : bf16
        %mul3A_276 = vector.broadcast %mul3A_275 : bf16 to vector<32xbf16>
        %mul3A_277 = arith.mulf %mul3A_276, %exp3A_274 : vector<32xbf16>
        %add3A_278 = arith.constant -4.414060e-01 : bf16
        %add3A_279 = vector.broadcast %add3A_278 : bf16 to vector<32xbf16>
        %add3A_280 = arith.addf %mul3A_277, %add3A_279 : vector<32xbf16>
        %mul3A_281 = arith.mulf %add3A_280, %exp3A_274 : vector<32xbf16>
        %add3A_282 = arith.constant 9.960930e-01 : bf16
        %add3A_283 = vector.broadcast %add3A_282 : bf16 to vector<32xbf16>
        %add3A_284 = arith.addf %mul3A_281, %add3A_283 : vector<32xbf16>
        %max3A_285 = arith.constant 0.000000e+00 : bf16
        %max3A_286 = vector.broadcast %max3A_285 : bf16 to vector<32xbf16>
        %max3A_287 = arith.maximumf %pack3A_268, %max3A_286 : vector<32xbf16>
        %mul3A_288 = arith.mulf %exp3A_274, %add3A_284 : vector<32xbf16>
        %add3A_289 = arith.addf %max3A_287, %mul3A_288 : vector<32xbf16>
        %unpack3A_290 = tpu.unpack_subelements %add3A_289, 0 {pack_format = #tpu.pack_format<interleaved>} : vector<32xbf16> -> vector<16xf32>
        %unpack3A_291 = tpu.unpack_subelements %add3A_289, 1 {pack_format = #tpu.pack_format<interleaved>} : vector<32xbf16> -> vector<16xf32>
        %swap3A_292 = arith.index_cast %scan3A_197 : i32 to index
        %swap3A_293 = arith.constant 64 : index
        %swap3A_294 = tpu.vector_load %arg9[%swap3A_292, %swap3A_293] {strides = array<i32>} : memref<128x128xf32, #tpu.memory_space<vmem>>, vector<16xf32>,
        tpu.vector_store %arg9[%swap3A_292, %swap3A_293], %unpack3A_290 {strides = array<i32>} : memref<128x128xf32, #tpu.memory_space<vmem>>, vector<16xf32>,
        %swap3A_295 = arith.index_cast %scan3A_197 : i32 to index
        %swap3A_296 = arith.constant 80 : index
        %swap3A_297 = tpu.vector_load %arg9[%swap3A_295, %swap3A_296] {strides = array<i32>} : memref<128x128xf32, #tpu.memory_space<vmem>>, vector<16xf32>,
        tpu.vector_store %arg9[%swap3A_295, %swap3A_296], %unpack3A_291 {strides = array<i32>} : memref<128x128xf32, #tpu.memory_space<vmem>>, vector<16xf32>,
        %get3A_298 = arith.index_cast %scan3A_197 : i32 to index
        %get3A_299 = arith.constant 96 : index
        %get3A_300 = tpu.vector_load %arg6[%get3A_298, %get3A_299] {strides = array<i32>} : memref<128x128xf32, #tpu.memory_space<vmem>>, vector<16xf32>,
        %get3A_301 = arith.index_cast %scan3A_197 : i32 to index
        %get3A_302 = arith.constant 112 : index
        %get3A_303 = tpu.vector_load %arg6[%get3A_301, %get3A_302] {strides = array<i32>} : memref<128x128xf32, #tpu.memory_space<vmem>>, vector<16xf32>,
        %pack3A_304 = tpu.pack_subelements %get3A_300, %get3A_303 {pack_format = #tpu.pack_format<interleaved>, positions = array<i32: 0, 1>} : vector<16xf32>, vector<16xf32> -> vector<32xbf16>
        %bitcast_convert_type3A_305 = tpu.bitcast %pack3A_304 : vector<32xbf16> -> vector<32xi16>
        %or3A_306 = arith.constant -32768 : i16
        %or3A_307 = vector.broadcast %or3A_306 : i16 to vector<32xi16>
        %or3A_308 = arith.ori %bitcast_convert_type3A_305, %or3A_307 : vector<32xi16>
        %bitcast_convert_type3A_309 = tpu.bitcast %or3A_308 : vector<32xi16> -> vector<32xbf16>
        %exp3A_310 = math.exp %bitcast_convert_type3A_309 : vector<32xbf16>
        %mul3A_311 = arith.constant 1.396480e-01 : bf16
        %mul3A_312 = vector.broadcast %mul3A_311 : bf16 to vector<32xbf16>
        %mul3A_313 = arith.mulf %mul3A_312, %exp3A_310 : vector<32xbf16>
        %add3A_314 = arith.constant -4.414060e-01 : bf16
        %add3A_315 = vector.broadcast %add3A_314 : bf16 to vector<32xbf16>
        %add3A_316 = arith.addf %mul3A_313, %add3A_315 : vector<32xbf16>
        %mul3A_317 = arith.mulf %add3A_316, %exp3A_310 : vector<32xbf16>
        %add3A_318 = arith.constant 9.960930e-01 : bf16
        %add3A_319 = vector.broadcast %add3A_318 : bf16 to vector<32xbf16>
        %add3A_320 = arith.addf %mul3A_317, %add3A_319 : vector<32xbf16>
        %max3A_321 = arith.constant 0.000000e+00 : bf16
        %max3A_322 = vector.broadcast %max3A_321 : bf16 to vector<32xbf16>
        %max3A_323 = arith.maximumf %pack3A_304, %max3A_322 : vector<32xbf16>
        %mul3A_324 = arith.mulf %exp3A_310, %add3A_320 : vector<32xbf16>
        %add3A_325 = arith.addf %max3A_323, %mul3A_324 : vector<32xbf16>
        %unpack3A_326 = tpu.unpack_subelements %add3A_325, 0 {pack_format = #tpu.pack_format<interleaved>} : vector<32xbf16> -> vector<16xf32>
        %unpack3A_327 = tpu.unpack_subelements %add3A_325, 1 {pack_format = #tpu.pack_format<interleaved>} : vector<32xbf16> -> vector<16xf32>
        %swap3A_328 = arith.index_cast %scan3A_197 : i32 to index
        %swap3A_329 = arith.constant 96 : index
        %swap3A_330 = tpu.vector_load %arg9[%swap3A_328, %swap3A_329] {strides = array<i32>} : memref<128x128xf32, #tpu.memory_space<vmem>>, vector<16xf32>,
        tpu.vector_store %arg9[%swap3A_328, %swap3A_329], %unpack3A_326 {strides = array<i32>} : memref<128x128xf32, #tpu.memory_space<vmem>>, vector<16xf32>,
        %swap3A_331 = arith.index_cast %scan3A_197 : i32 to index
        %swap3A_332 = arith.constant 112 : index
        %swap3A_333 = tpu.vector_load %arg9[%swap3A_331, %swap3A_332] {strides = array<i32>} : memref<128x128xf32, #tpu.memory_space<vmem>>, vector<16xf32>,
        tpu.vector_store %arg9[%swap3A_331, %swap3A_332], %unpack3A_327 {strides = array<i32>} : memref<128x128xf32, #tpu.memory_space<vmem>>, vector<16xf32>,
      }
      %scan3A_113 = arith.constant 128 : i32
      %mul3A_114 = arith.constant 4096 : i32
      %mul3A_115 = arith.muli %add3A_99, %mul3A_114 : i32
      %add3A_116 = arith.addi %mul3A_115, %mul3A_2 : i32
      %dma_start3A_117 = arith.constant 0 : i32
      %dma_start3A_118 = tpu.memref_slice %arg4[%add3A_116, %dma_start3A_117] : memref<204800x128xf32, #tpu.memory_space<hbm>> -> memref<128x128xf32, #tpu.memory_space<hbm>>
      %dma_start3A_119 = arith.constant 0 : i32
      %dma_start3A_120 = tpu.memref_slice %arg4[%add3A_116, %dma_start3A_119] : memref<204800x128xf32, #tpu.memory_space<hbm>> -> memref<128x128xf32, #tpu.memory_space<hbm>>
      tpu.enqueue_dma source(%arg9 : memref<128x128xf32, #tpu.memory_space<vmem>>) target(%dma_start3A_120 : memref<128x128xf32, #tpu.memory_space<hbm>>) target_semaphore(%arg15 : memref<!tpu.dma_semaphore, #tpu.memory_space<semaphore_mem>>)
      %add3A_121 = arith.constant 3 : i32
      %add3A_122 = arith.addi %add3A_99, %add3A_121 : i32
      %lt3A = arith.constant 50 : i32
      %lt3A_123 = arith.cmpi slt, %add3A_122, %lt3A : i32
      %convert_element_type3A_124 = arith.extui %lt3A_123 : i1 to i32
      %cond3A_125 = arith.constant 0 : i32
      %cond3A_126 = arith.cmpi ne, %convert_element_type3A_124, %cond3A_125 : i32
      scf.if %cond3A_126 {
        %add3A_197 = arith.constant 3 : i32
        %add3A_198 = arith.addi %add3A_99, %add3A_197 : i32
        %dma_start3A_199 = arith.constant 0 : i32
        %dma_start3A_200 = tpu.memref_slice %arg5[%add3A_198, %dma_start3A_199] : memref<50x128xi32, #tpu.memory_space<vmem>> -> memref<1x128xi32, #tpu.memory_space<vmem>>
        %dma_start3A_201 = tpu.memref_squeeze %dma_start3A_200 : memref<1x128xi32, #tpu.memory_space<vmem>> -> memref<128xi32, #tpu.memory_space<vmem>>
        %dma_start3A_202 = arith.constant 0 : i32
        %dma_start3A_203 = arith.constant 0 : i32
        %dma_start3A_204 = tpu.memref_slice %arg2[%dma_start3A_202, %dma_start3A_203] : memref<100000x128xf32, #tpu.memory_space<hbm>> -> memref<100000x128xf32, #tpu.memory_space<hbm>>
        tpu.enqueue_indirect_dma source(%dma_start3A_204 : memref<100000x128xf32, #tpu.memory_space<hbm>>) target(%arg6 : memref<128x128xf32, #tpu.memory_space<vmem>>) offsets(%dma_start3A_201 : memref<128xi32, #tpu.memory_space<vmem>>) semaphore(%arg12 : memref<!tpu.dma_semaphore, #tpu.memory_space<semaphore_mem>>)
      } else {
      }
      %mul3A_127 = arith.constant 3 : i32
      %mul3A_128 = arith.muli %mul3A_127, %scan3A_95 : i32
      %add3A_129 = arith.constant 1 : i32
      %add3A_130 = arith.addi %mul3A_128, %add3A_129 : i32
      %dma_wait3A_131 = arith.constant 0 : i32
      %dma_wait3A_132 = tpu.memref_slice %arg5[%add3A_130, %dma_wait3A_131] : memref<50x128xi32, #tpu.memory_space<vmem>> -> memref<1x128xi32, #tpu.memory_space<vmem>>
      %dma_wait3A_133 = tpu.memref_squeeze %dma_wait3A_132 : memref<1x128xi32, #tpu.memory_space<vmem>> -> memref<128xi32, #tpu.memory_space<vmem>>
      %dma_wait3A_134 = arith.constant 0 : i32
      %dma_wait3A_135 = arith.constant 0 : i32
      %dma_wait3A_136 = tpu.memref_slice %arg2[%dma_wait3A_134, %dma_wait3A_135] : memref<100000x128xf32, #tpu.memory_space<hbm>> -> memref<100000x128xf32, #tpu.memory_space<hbm>>
      tpu.wait_indirect_dma semaphore(%arg13 : memref<!tpu.dma_semaphore, #tpu.memory_space<semaphore_mem>>) src(%dma_wait3A_136 : memref<100000x128xf32, #tpu.memory_space<hbm>>) dst(%arg7 : memref<128x128xf32, #tpu.memory_space<vmem>>)
      %ge3A_137 = arith.constant 1 : i32
      %ge3A_138 = arith.cmpi sge, %scan3A_95, %ge3A_137 : i32
      %convert_element_type3A_139 = arith.extui %ge3A_138 : i1 to i32
      %cond3A_140 = arith.constant 0 : i32
      %cond3A_141 = arith.cmpi ne, %convert_element_type3A_139, %cond3A_140 : i32
      scf.if %cond3A_141 {
        %sub3A = arith.constant 3 : i32
        %sub3A_197 = arith.subi %add3A_130, %sub3A : i32
        %mul3A_198 = arith.constant 4096 : i32
        %mul3A_199 = arith.muli %sub3A_197, %mul3A_198 : i32
        %add3A_200 = arith.addi %mul3A_199, %mul3A_2 : i32
        %dma_wait3A_201 = arith.constant 0 : i32
        %dma_wait3A_202 = tpu.memref_slice %arg4[%add3A_200, %dma_wait3A_201] : memref<204800x128xf32, #tpu.memory_space<hbm>> -> memref<128x128xf32, #tpu.memory_space<hbm>>
        %dma_wait3A_203 = arith.constant 0 : i32
        %dma_wait3A_204 = tpu.memref_slice %arg4[%add3A_200, %dma_wait3A_203] : memref<204800x128xf32, #tpu.memory_space<hbm>> -> memref<128x128xf32, #tpu.memory_space<hbm>>
        tpu.wait_dma2 semaphore(%arg16 : memref<!tpu.dma_semaphore, #tpu.memory_space<semaphore_mem>>) src(%arg10 : memref<128x128xf32, #tpu.memory_space<vmem>>) dst(%dma_wait3A_204 : memref<128x128xf32, #tpu.memory_space<hbm>>)
      } else {
      }
      %scan3A_142 = arith.constant 0 : i32
      %scan3A_143 = arith.constant 0 : i32
      %scan3A_144 = arith.constant 128 : i32
      %scan3A_145 = arith.addi %scan3A_143, %scan3A_144 : i32
      %scan3A_146 = arith.constant 1 : i32
      scf.for %scan3A_197 = %scan3A_143 to %scan3A_145 step %scan3A_146  : i32 {
        %get3A = arith.index_cast %scan3A_197 : i32 to index
        %get3A_198 = arith.constant 0 : index
        %get3A_199 = tpu.vector_load %arg7[%get3A, %get3A_198] {strides = array<i32>} : memref<128x128xf32, #tpu.memory_space<vmem>>, vector<16xf32>,
        %get3A_200 = arith.index_cast %scan3A_197 : i32 to index
        %get3A_201 = arith.constant 16 : index
        %get3A_202 = tpu.vector_load %arg7[%get3A_200, %get3A_201] {strides = array<i32>} : memref<128x128xf32, #tpu.memory_space<vmem>>, vector<16xf32>,
        %pack3A = tpu.pack_subelements %get3A_199, %get3A_202 {pack_format = #tpu.pack_format<interleaved>, positions = array<i32: 0, 1>} : vector<16xf32>, vector<16xf32> -> vector<32xbf16>
        %bitcast_convert_type3A = tpu.bitcast %pack3A : vector<32xbf16> -> vector<32xi16>
        %or3A = arith.constant -32768 : i16
        %or3A_203 = vector.broadcast %or3A : i16 to vector<32xi16>
        %or3A_204 = arith.ori %bitcast_convert_type3A, %or3A_203 : vector<32xi16>
        %bitcast_convert_type3A_205 = tpu.bitcast %or3A_204 : vector<32xi16> -> vector<32xbf16>
        %exp3A = math.exp %bitcast_convert_type3A_205 : vector<32xbf16>
        %mul3A_206 = arith.constant 1.396480e-01 : bf16
        %mul3A_207 = vector.broadcast %mul3A_206 : bf16 to vector<32xbf16>
        %mul3A_208 = arith.mulf %mul3A_207, %exp3A : vector<32xbf16>
        %add3A_209 = arith.constant -4.414060e-01 : bf16
        %add3A_210 = vector.broadcast %add3A_209 : bf16 to vector<32xbf16>
        %add3A_211 = arith.addf %mul3A_208, %add3A_210 : vector<32xbf16>
        %mul3A_212 = arith.mulf %add3A_211, %exp3A : vector<32xbf16>
        %add3A_213 = arith.constant 9.960930e-01 : bf16
        %add3A_214 = vector.broadcast %add3A_213 : bf16 to vector<32xbf16>
        %add3A_215 = arith.addf %mul3A_212, %add3A_214 : vector<32xbf16>
        %max3A = arith.constant 0.000000e+00 : bf16
        %max3A_216 = vector.broadcast %max3A : bf16 to vector<32xbf16>
        %max3A_217 = arith.maximumf %pack3A, %max3A_216 : vector<32xbf16>
        %mul3A_218 = arith.mulf %exp3A, %add3A_215 : vector<32xbf16>
        %add3A_219 = arith.addf %max3A_217, %mul3A_218 : vector<32xbf16>
        %unpack3A = tpu.unpack_subelements %add3A_219, 0 {pack_format = #tpu.pack_format<interleaved>} : vector<32xbf16> -> vector<16xf32>
        %unpack3A_220 = tpu.unpack_subelements %add3A_219, 1 {pack_format = #tpu.pack_format<interleaved>} : vector<32xbf16> -> vector<16xf32>
        %swap3A = arith.index_cast %scan3A_197 : i32 to index
        %swap3A_221 = arith.constant 0 : index
        %swap3A_222 = tpu.vector_load %arg10[%swap3A, %swap3A_221] {strides = array<i32>} : memref<128x128xf32, #tpu.memory_space<vmem>>, vector<16xf32>,
        tpu.vector_store %arg10[%swap3A, %swap3A_221], %unpack3A {strides = array<i32>} : memref<128x128xf32, #tpu.memory_space<vmem>>, vector<16xf32>,
        %swap3A_223 = arith.index_cast %scan3A_197 : i32 to index
        %swap3A_224 = arith.constant 16 : index
        %swap3A_225 = tpu.vector_load %arg10[%swap3A_223, %swap3A_224] {strides = array<i32>} : memref<128x128xf32, #tpu.memory_space<vmem>>, vector<16xf32>,
        tpu.vector_store %arg10[%swap3A_223, %swap3A_224], %unpack3A_220 {strides = array<i32>} : memref<128x128xf32, #tpu.memory_space<vmem>>, vector<16xf32>,
        %get3A_226 = arith.index_cast %scan3A_197 : i32 to index
        %get3A_227 = arith.constant 32 : index
        %get3A_228 = tpu.vector_load %arg7[%get3A_226, %get3A_227] {strides = array<i32>} : memref<128x128xf32, #tpu.memory_space<vmem>>, vector<16xf32>,
        %get3A_229 = arith.index_cast %scan3A_197 : i32 to index
        %get3A_230 = arith.constant 48 : index
        %get3A_231 = tpu.vector_load %arg7[%get3A_229, %get3A_230] {strides = array<i32>} : memref<128x128xf32, #tpu.memory_space<vmem>>, vector<16xf32>,
        %pack3A_232 = tpu.pack_subelements %get3A_228, %get3A_231 {pack_format = #tpu.pack_format<interleaved>, positions = array<i32: 0, 1>} : vector<16xf32>, vector<16xf32> -> vector<32xbf16>
        %bitcast_convert_type3A_233 = tpu.bitcast %pack3A_232 : vector<32xbf16> -> vector<32xi16>
        %or3A_234 = arith.constant -32768 : i16
        %or3A_235 = vector.broadcast %or3A_234 : i16 to vector<32xi16>
        %or3A_236 = arith.ori %bitcast_convert_type3A_233, %or3A_235 : vector<32xi16>
        %bitcast_convert_type3A_237 = tpu.bitcast %or3A_236 : vector<32xi16> -> vector<32xbf16>
        %exp3A_238 = math.exp %bitcast_convert_type3A_237 : vector<32xbf16>
        %mul3A_239 = arith.constant 1.396480e-01 : bf16
        %mul3A_240 = vector.broadcast %mul3A_239 : bf16 to vector<32xbf16>
        %mul3A_241 = arith.mulf %mul3A_240, %exp3A_238 : vector<32xbf16>
        %add3A_242 = arith.constant -4.414060e-01 : bf16
        %add3A_243 = vector.broadcast %add3A_242 : bf16 to vector<32xbf16>
        %add3A_244 = arith.addf %mul3A_241, %add3A_243 : vector<32xbf16>
        %mul3A_245 = arith.mulf %add3A_244, %exp3A_238 : vector<32xbf16>
        %add3A_246 = arith.constant 9.960930e-01 : bf16
        %add3A_247 = vector.broadcast %add3A_246 : bf16 to vector<32xbf16>
        %add3A_248 = arith.addf %mul3A_245, %add3A_247 : vector<32xbf16>
        %max3A_249 = arith.constant 0.000000e+00 : bf16
        %max3A_250 = vector.broadcast %max3A_249 : bf16 to vector<32xbf16>
        %max3A_251 = arith.maximumf %pack3A_232, %max3A_250 : vector<32xbf16>
        %mul3A_252 = arith.mulf %exp3A_238, %add3A_248 : vector<32xbf16>
        %add3A_253 = arith.addf %max3A_251, %mul3A_252 : vector<32xbf16>
        %unpack3A_254 = tpu.unpack_subelements %add3A_253, 0 {pack_format = #tpu.pack_format<interleaved>} : vector<32xbf16> -> vector<16xf32>
        %unpack3A_255 = tpu.unpack_subelements %add3A_253, 1 {pack_format = #tpu.pack_format<interleaved>} : vector<32xbf16> -> vector<16xf32>
        %swap3A_256 = arith.index_cast %scan3A_197 : i32 to index
        %swap3A_257 = arith.constant 32 : index
        %swap3A_258 = tpu.vector_load %arg10[%swap3A_256, %swap3A_257] {strides = array<i32>} : memref<128x128xf32, #tpu.memory_space<vmem>>, vector<16xf32>,
        tpu.vector_store %arg10[%swap3A_256, %swap3A_257], %unpack3A_254 {strides = array<i32>} : memref<128x128xf32, #tpu.memory_space<vmem>>, vector<16xf32>,
        %swap3A_259 = arith.index_cast %scan3A_197 : i32 to index
        %swap3A_260 = arith.constant 48 : index
        %swap3A_261 = tpu.vector_load %arg10[%swap3A_259, %swap3A_260] {strides = array<i32>} : memref<128x128xf32, #tpu.memory_space<vmem>>, vector<16xf32>,
        tpu.vector_store %arg10[%swap3A_259, %swap3A_260], %unpack3A_255 {strides = array<i32>} : memref<128x128xf32, #tpu.memory_space<vmem>>, vector<16xf32>,
        %get3A_262 = arith.index_cast %scan3A_197 : i32 to index
        %get3A_263 = arith.constant 64 : index
        %get3A_264 = tpu.vector_load %arg7[%get3A_262, %get3A_263] {strides = array<i32>} : memref<128x128xf32, #tpu.memory_space<vmem>>, vector<16xf32>,
        %get3A_265 = arith.index_cast %scan3A_197 : i32 to index
        %get3A_266 = arith.constant 80 : index
        %get3A_267 = tpu.vector_load %arg7[%get3A_265, %get3A_266] {strides = array<i32>} : memref<128x128xf32, #tpu.memory_space<vmem>>, vector<16xf32>,
        %pack3A_268 = tpu.pack_subelements %get3A_264, %get3A_267 {pack_format = #tpu.pack_format<interleaved>, positions = array<i32: 0, 1>} : vector<16xf32>, vector<16xf32> -> vector<32xbf16>
        %bitcast_convert_type3A_269 = tpu.bitcast %pack3A_268 : vector<32xbf16> -> vector<32xi16>
        %or3A_270 = arith.constant -32768 : i16
        %or3A_271 = vector.broadcast %or3A_270 : i16 to vector<32xi16>
        %or3A_272 = arith.ori %bitcast_convert_type3A_269, %or3A_271 : vector<32xi16>
        %bitcast_convert_type3A_273 = tpu.bitcast %or3A_272 : vector<32xi16> -> vector<32xbf16>
        %exp3A_274 = math.exp %bitcast_convert_type3A_273 : vector<32xbf16>
        %mul3A_275 = arith.constant 1.396480e-01 : bf16
        %mul3A_276 = vector.broadcast %mul3A_275 : bf16 to vector<32xbf16>
        %mul3A_277 = arith.mulf %mul3A_276, %exp3A_274 : vector<32xbf16>
        %add3A_278 = arith.constant -4.414060e-01 : bf16
        %add3A_279 = vector.broadcast %add3A_278 : bf16 to vector<32xbf16>
        %add3A_280 = arith.addf %mul3A_277, %add3A_279 : vector<32xbf16>
        %mul3A_281 = arith.mulf %add3A_280, %exp3A_274 : vector<32xbf16>
        %add3A_282 = arith.constant 9.960930e-01 : bf16
        %add3A_283 = vector.broadcast %add3A_282 : bf16 to vector<32xbf16>
        %add3A_284 = arith.addf %mul3A_281, %add3A_283 : vector<32xbf16>
        %max3A_285 = arith.constant 0.000000e+00 : bf16
        %max3A_286 = vector.broadcast %max3A_285 : bf16 to vector<32xbf16>
        %max3A_287 = arith.maximumf %pack3A_268, %max3A_286 : vector<32xbf16>
        %mul3A_288 = arith.mulf %exp3A_274, %add3A_284 : vector<32xbf16>
        %add3A_289 = arith.addf %max3A_287, %mul3A_288 : vector<32xbf16>
        %unpack3A_290 = tpu.unpack_subelements %add3A_289, 0 {pack_format = #tpu.pack_format<interleaved>} : vector<32xbf16> -> vector<16xf32>
        %unpack3A_291 = tpu.unpack_subelements %add3A_289, 1 {pack_format = #tpu.pack_format<interleaved>} : vector<32xbf16> -> vector<16xf32>
        %swap3A_292 = arith.index_cast %scan3A_197 : i32 to index
        %swap3A_293 = arith.constant 64 : index
        %swap3A_294 = tpu.vector_load %arg10[%swap3A_292, %swap3A_293] {strides = array<i32>} : memref<128x128xf32, #tpu.memory_space<vmem>>, vector<16xf32>,
        tpu.vector_store %arg10[%swap3A_292, %swap3A_293], %unpack3A_290 {strides = array<i32>} : memref<128x128xf32, #tpu.memory_space<vmem>>, vector<16xf32>,
        %swap3A_295 = arith.index_cast %scan3A_197 : i32 to index
        %swap3A_296 = arith.constant 80 : index
        %swap3A_297 = tpu.vector_load %arg10[%swap3A_295, %swap3A_296] {strides = array<i32>} : memref<128x128xf32, #tpu.memory_space<vmem>>, vector<16xf32>,
        tpu.vector_store %arg10[%swap3A_295, %swap3A_296], %unpack3A_291 {strides = array<i32>} : memref<128x128xf32, #tpu.memory_space<vmem>>, vector<16xf32>,
        %get3A_298 = arith.index_cast %scan3A_197 : i32 to index
        %get3A_299 = arith.constant 96 : index
        %get3A_300 = tpu.vector_load %arg7[%get3A_298, %get3A_299] {strides = array<i32>} : memref<128x128xf32, #tpu.memory_space<vmem>>, vector<16xf32>,
        %get3A_301 = arith.index_cast %scan3A_197 : i32 to index
        %get3A_302 = arith.constant 112 : index
        %get3A_303 = tpu.vector_load %arg7[%get3A_301, %get3A_302] {strides = array<i32>} : memref<128x128xf32, #tpu.memory_space<vmem>>, vector<16xf32>,
        %pack3A_304 = tpu.pack_subelements %get3A_300, %get3A_303 {pack_format = #tpu.pack_format<interleaved>, positions = array<i32: 0, 1>} : vector<16xf32>, vector<16xf32> -> vector<32xbf16>
        %bitcast_convert_type3A_305 = tpu.bitcast %pack3A_304 : vector<32xbf16> -> vector<32xi16>
        %or3A_306 = arith.constant -32768 : i16
        %or3A_307 = vector.broadcast %or3A_306 : i16 to vector<32xi16>
        %or3A_308 = arith.ori %bitcast_convert_type3A_305, %or3A_307 : vector<32xi16>
        %bitcast_convert_type3A_309 = tpu.bitcast %or3A_308 : vector<32xi16> -> vector<32xbf16>
        %exp3A_310 = math.exp %bitcast_convert_type3A_309 : vector<32xbf16>
        %mul3A_311 = arith.constant 1.396480e-01 : bf16
        %mul3A_312 = vector.broadcast %mul3A_311 : bf16 to vector<32xbf16>
        %mul3A_313 = arith.mulf %mul3A_312, %exp3A_310 : vector<32xbf16>
        %add3A_314 = arith.constant -4.414060e-01 : bf16
        %add3A_315 = vector.broadcast %add3A_314 : bf16 to vector<32xbf16>
        %add3A_316 = arith.addf %mul3A_313, %add3A_315 : vector<32xbf16>
        %mul3A_317 = arith.mulf %add3A_316, %exp3A_310 : vector<32xbf16>
        %add3A_318 = arith.constant 9.960930e-01 : bf16
        %add3A_319 = vector.broadcast %add3A_318 : bf16 to vector<32xbf16>
        %add3A_320 = arith.addf %mul3A_317, %add3A_319 : vector<32xbf16>
        %max3A_321 = arith.constant 0.000000e+00 : bf16
        %max3A_322 = vector.broadcast %max3A_321 : bf16 to vector<32xbf16>
        %max3A_323 = arith.maximumf %pack3A_304, %max3A_322 : vector<32xbf16>
        %mul3A_324 = arith.mulf %exp3A_310, %add3A_320 : vector<32xbf16>
        %add3A_325 = arith.addf %max3A_323, %mul3A_324 : vector<32xbf16>
        %unpack3A_326 = tpu.unpack_subelements %add3A_325, 0 {pack_format = #tpu.pack_format<interleaved>} : vector<32xbf16> -> vector<16xf32>
        %unpack3A_327 = tpu.unpack_subelements %add3A_325, 1 {pack_format = #tpu.pack_format<interleaved>} : vector<32xbf16> -> vector<16xf32>
        %swap3A_328 = arith.index_cast %scan3A_197 : i32 to index
        %swap3A_329 = arith.constant 96 : index
        %swap3A_330 = tpu.vector_load %arg10[%swap3A_328, %swap3A_329] {strides = array<i32>} : memref<128x128xf32, #tpu.memory_space<vmem>>, vector<16xf32>,
        tpu.vector_store %arg10[%swap3A_328, %swap3A_329], %unpack3A_326 {strides = array<i32>} : memref<128x128xf32, #tpu.memory_space<vmem>>, vector<16xf32>,
        %swap3A_331 = arith.index_cast %scan3A_197 : i32 to index
        %swap3A_332 = arith.constant 112 : index
        %swap3A_333 = tpu.vector_load %arg10[%swap3A_331, %swap3A_332] {strides = array<i32>} : memref<128x128xf32, #tpu.memory_space<vmem>>, vector<16xf32>,
        tpu.vector_store %arg10[%swap3A_331, %swap3A_332], %unpack3A_327 {strides = array<i32>} : memref<128x128xf32, #tpu.memory_space<vmem>>, vector<16xf32>,
      }
      %scan3A_147 = arith.constant 128 : i32
      %mul3A_148 = arith.constant 4096 : i32
      %mul3A_149 = arith.muli %add3A_130, %mul3A_148 : i32
      %add3A_150 = arith.addi %mul3A_149, %mul3A_2 : i32
      %dma_start3A_151 = arith.constant 0 : i32
      %dma_start3A_152 = tpu.memref_slice %arg4[%add3A_150, %dma_start3A_151] : memref<204800x128xf32, #tpu.memory_space<hbm>> -> memref<128x128xf32, #tpu.memory_space<hbm>>
      %dma_start3A_153 = arith.constant 0 : i32
      %dma_start3A_154 = tpu.memref_slice %arg4[%add3A_150, %dma_start3A_153] : memref<204800x128xf32, #tpu.memory_space<hbm>> -> memref<128x128xf32, #tpu.memory_space<hbm>>
      tpu.enqueue_dma source(%arg10 : memref<128x128xf32, #tpu.memory_space<vmem>>) target(%dma_start3A_154 : memref<128x128xf32, #tpu.memory_space<hbm>>) target_semaphore(%arg16 : memref<!tpu.dma_semaphore, #tpu.memory_space<semaphore_mem>>)
      %add3A_155 = arith.constant 3 : i32
      %add3A_156 = arith.addi %add3A_130, %add3A_155 : i32
      %lt3A_157 = arith.constant 50 : i32
      %lt3A_158 = arith.cmpi slt, %add3A_156, %lt3A_157 : i32
      %convert_element_type3A_159 = arith.extui %lt3A_158 : i1 to i32
      %cond3A_160 = arith.constant 0 : i32
      %cond3A_161 = arith.cmpi ne, %convert_element_type3A_159, %cond3A_160 : i32
      scf.if %cond3A_161 {
        %add3A_197 = arith.constant 3 : i32
        %add3A_198 = arith.addi %add3A_130, %add3A_197 : i32
        %dma_start3A_199 = arith.constant 0 : i32
        %dma_start3A_200 = tpu.memref_slice %arg5[%add3A_198, %dma_start3A_199] : memref<50x128xi32, #tpu.memory_space<vmem>> -> memref<1x128xi32, #tpu.memory_space<vmem>>
        %dma_start3A_201 = tpu.memref_squeeze %dma_start3A_200 : memref<1x128xi32, #tpu.memory_space<vmem>> -> memref<128xi32, #tpu.memory_space<vmem>>
        %dma_start3A_202 = arith.constant 0 : i32
        %dma_start3A_203 = arith.constant 0 : i32
        %dma_start3A_204 = tpu.memref_slice %arg2[%dma_start3A_202, %dma_start3A_203] : memref<100000x128xf32, #tpu.memory_space<hbm>> -> memref<100000x128xf32, #tpu.memory_space<hbm>>
        tpu.enqueue_indirect_dma source(%dma_start3A_204 : memref<100000x128xf32, #tpu.memory_space<hbm>>) target(%arg7 : memref<128x128xf32, #tpu.memory_space<vmem>>) offsets(%dma_start3A_201 : memref<128xi32, #tpu.memory_space<vmem>>) semaphore(%arg13 : memref<!tpu.dma_semaphore, #tpu.memory_space<semaphore_mem>>)
      } else {
      }
      %mul3A_162 = arith.constant 3 : i32
      %mul3A_163 = arith.muli %mul3A_162, %scan3A_95 : i32
      %add3A_164 = arith.constant 2 : i32
      %add3A_165 = arith.addi %mul3A_163, %add3A_164 : i32
      %dma_wait3A_166 = arith.constant 0 : i32
      %dma_wait3A_167 = tpu.memref_slice %arg5[%add3A_165, %dma_wait3A_166] : memref<50x128xi32, #tpu.memory_space<vmem>> -> memref<1x128xi32, #tpu.memory_space<vmem>>
      %dma_wait3A_168 = tpu.memref_squeeze %dma_wait3A_167 : memref<1x128xi32, #tpu.memory_space<vmem>> -> memref<128xi32, #tpu.memory_space<vmem>>
      %dma_wait3A_169 = arith.constant 0 : i32
      %dma_wait3A_170 = arith.constant 0 : i32
      %dma_wait3A_171 = tpu.memref_slice %arg2[%dma_wait3A_169, %dma_wait3A_170] : memref<100000x128xf32, #tpu.memory_space<hbm>> -> memref<100000x128xf32, #tpu.memory_space<hbm>>
      tpu.wait_indirect_dma semaphore(%arg14 : memref<!tpu.dma_semaphore, #tpu.memory_space<semaphore_mem>>) src(%dma_wait3A_171 : memref<100000x128xf32, #tpu.memory_space<hbm>>) dst(%arg8 : memref<128x128xf32, #tpu.memory_space<vmem>>)
      %ge3A_172 = arith.constant 1 : i32
      %ge3A_173 = arith.cmpi sge, %scan3A_95, %ge3A_172 : i32
      %convert_element_type3A_174 = arith.extui %ge3A_173 : i1 to i32
      %cond3A_175 = arith.constant 0 : i32
      %cond3A_176 = arith.cmpi ne, %convert_element_type3A_174, %cond3A_175 : i32
      scf.if %cond3A_176 {
        %sub3A = arith.constant 3 : i32
        %sub3A_197 = arith.subi %add3A_165, %sub3A : i32
        %mul3A_198 = arith.constant 4096 : i32
        %mul3A_199 = arith.muli %sub3A_197, %mul3A_198 : i32
        %add3A_200 = arith.addi %mul3A_199, %mul3A_2 : i32
        %dma_wait3A_201 = arith.constant 0 : i32
        %dma_wait3A_202 = tpu.memref_slice %arg4[%add3A_200, %dma_wait3A_201] : memref<204800x128xf32, #tpu.memory_space<hbm>> -> memref<128x128xf32, #tpu.memory_space<hbm>>
        %dma_wait3A_203 = arith.constant 0 : i32
        %dma_wait3A_204 = tpu.memref_slice %arg4[%add3A_200, %dma_wait3A_203] : memref<204800x128xf32, #tpu.memory_space<hbm>> -> memref<128x128xf32, #tpu.memory_space<hbm>>
        tpu.wait_dma2 semaphore(%arg17 : memref<!tpu.dma_semaphore, #tpu.memory_space<semaphore_mem>>) src(%arg11 : memref<128x128xf32, #tpu.memory_space<vmem>>) dst(%dma_wait3A_204 : memref<128x128xf32, #tpu.memory_space<hbm>>)
      } else {
      }
      %scan3A_177 = arith.constant 0 : i32
      %scan3A_178 = arith.constant 0 : i32
      %scan3A_179 = arith.constant 128 : i32
      %scan3A_180 = arith.addi %scan3A_178, %scan3A_179 : i32
      %scan3A_181 = arith.constant 1 : i32
      scf.for %scan3A_197 = %scan3A_178 to %scan3A_180 step %scan3A_181  : i32 {
        %get3A = arith.index_cast %scan3A_197 : i32 to index
        %get3A_198 = arith.constant 0 : index
        %get3A_199 = tpu.vector_load %arg8[%get3A, %get3A_198] {strides = array<i32>} : memref<128x128xf32, #tpu.memory_space<vmem>>, vector<16xf32>,
        %get3A_200 = arith.index_cast %scan3A_197 : i32 to index
        %get3A_201 = arith.constant 16 : index
        %get3A_202 = tpu.vector_load %arg8[%get3A_200, %get3A_201] {strides = array<i32>} : memref<128x128xf32, #tpu.memory_space<vmem>>, vector<16xf32>,
        %pack3A = tpu.pack_subelements %get3A_199, %get3A_202 {pack_format = #tpu.pack_format<interleaved>, positions = array<i32: 0, 1>} : vector<16xf32>, vector<16xf32> -> vector<32xbf16>
        %bitcast_convert_type3A = tpu.bitcast %pack3A : vector<32xbf16> -> vector<32xi16>
        %or3A = arith.constant -32768 : i16
        %or3A_203 = vector.broadcast %or3A : i16 to vector<32xi16>
        %or3A_204 = arith.ori %bitcast_convert_type3A, %or3A_203 : vector<32xi16>
        %bitcast_convert_type3A_205 = tpu.bitcast %or3A_204 : vector<32xi16> -> vector<32xbf16>
        %exp3A = math.exp %bitcast_convert_type3A_205 : vector<32xbf16>
        %mul3A_206 = arith.constant 1.396480e-01 : bf16
        %mul3A_207 = vector.broadcast %mul3A_206 : bf16 to vector<32xbf16>
        %mul3A_208 = arith.mulf %mul3A_207, %exp3A : vector<32xbf16>
        %add3A_209 = arith.constant -4.414060e-01 : bf16
        %add3A_210 = vector.broadcast %add3A_209 : bf16 to vector<32xbf16>
        %add3A_211 = arith.addf %mul3A_208, %add3A_210 : vector<32xbf16>
        %mul3A_212 = arith.mulf %add3A_211, %exp3A : vector<32xbf16>
        %add3A_213 = arith.constant 9.960930e-01 : bf16
        %add3A_214 = vector.broadcast %add3A_213 : bf16 to vector<32xbf16>
        %add3A_215 = arith.addf %mul3A_212, %add3A_214 : vector<32xbf16>
        %max3A = arith.constant 0.000000e+00 : bf16
        %max3A_216 = vector.broadcast %max3A : bf16 to vector<32xbf16>
        %max3A_217 = arith.maximumf %pack3A, %max3A_216 : vector<32xbf16>
        %mul3A_218 = arith.mulf %exp3A, %add3A_215 : vector<32xbf16>
        %add3A_219 = arith.addf %max3A_217, %mul3A_218 : vector<32xbf16>
        %unpack3A = tpu.unpack_subelements %add3A_219, 0 {pack_format = #tpu.pack_format<interleaved>} : vector<32xbf16> -> vector<16xf32>
        %unpack3A_220 = tpu.unpack_subelements %add3A_219, 1 {pack_format = #tpu.pack_format<interleaved>} : vector<32xbf16> -> vector<16xf32>
        %swap3A = arith.index_cast %scan3A_197 : i32 to index
        %swap3A_221 = arith.constant 0 : index
        %swap3A_222 = tpu.vector_load %arg11[%swap3A, %swap3A_221] {strides = array<i32>} : memref<128x128xf32, #tpu.memory_space<vmem>>, vector<16xf32>,
        tpu.vector_store %arg11[%swap3A, %swap3A_221], %unpack3A {strides = array<i32>} : memref<128x128xf32, #tpu.memory_space<vmem>>, vector<16xf32>,
        %swap3A_223 = arith.index_cast %scan3A_197 : i32 to index
        %swap3A_224 = arith.constant 16 : index
        %swap3A_225 = tpu.vector_load %arg11[%swap3A_223, %swap3A_224] {strides = array<i32>} : memref<128x128xf32, #tpu.memory_space<vmem>>, vector<16xf32>,
        tpu.vector_store %arg11[%swap3A_223, %swap3A_224], %unpack3A_220 {strides = array<i32>} : memref<128x128xf32, #tpu.memory_space<vmem>>, vector<16xf32>,
        %get3A_226 = arith.index_cast %scan3A_197 : i32 to index
        %get3A_227 = arith.constant 32 : index
        %get3A_228 = tpu.vector_load %arg8[%get3A_226, %get3A_227] {strides = array<i32>} : memref<128x128xf32, #tpu.memory_space<vmem>>, vector<16xf32>,
        %get3A_229 = arith.index_cast %scan3A_197 : i32 to index
        %get3A_230 = arith.constant 48 : index
        %get3A_231 = tpu.vector_load %arg8[%get3A_229, %get3A_230] {strides = array<i32>} : memref<128x128xf32, #tpu.memory_space<vmem>>, vector<16xf32>,
        %pack3A_232 = tpu.pack_subelements %get3A_228, %get3A_231 {pack_format = #tpu.pack_format<interleaved>, positions = array<i32: 0, 1>} : vector<16xf32>, vector<16xf32> -> vector<32xbf16>
        %bitcast_convert_type3A_233 = tpu.bitcast %pack3A_232 : vector<32xbf16> -> vector<32xi16>
        %or3A_234 = arith.constant -32768 : i16
        %or3A_235 = vector.broadcast %or3A_234 : i16 to vector<32xi16>
        %or3A_236 = arith.ori %bitcast_convert_type3A_233, %or3A_235 : vector<32xi16>
        %bitcast_convert_type3A_237 = tpu.bitcast %or3A_236 : vector<32xi16> -> vector<32xbf16>
        %exp3A_238 = math.exp %bitcast_convert_type3A_237 : vector<32xbf16>
        %mul3A_239 = arith.constant 1.396480e-01 : bf16
        %mul3A_240 = vector.broadcast %mul3A_239 : bf16 to vector<32xbf16>
        %mul3A_241 = arith.mulf %mul3A_240, %exp3A_238 : vector<32xbf16>
        %add3A_242 = arith.constant -4.414060e-01 : bf16
        %add3A_243 = vector.broadcast %add3A_242 : bf16 to vector<32xbf16>
        %add3A_244 = arith.addf %mul3A_241, %add3A_243 : vector<32xbf16>
        %mul3A_245 = arith.mulf %add3A_244, %exp3A_238 : vector<32xbf16>
        %add3A_246 = arith.constant 9.960930e-01 : bf16
        %add3A_247 = vector.broadcast %add3A_246 : bf16 to vector<32xbf16>
        %add3A_248 = arith.addf %mul3A_245, %add3A_247 : vector<32xbf16>
        %max3A_249 = arith.constant 0.000000e+00 : bf16
        %max3A_250 = vector.broadcast %max3A_249 : bf16 to vector<32xbf16>
        %max3A_251 = arith.maximumf %pack3A_232, %max3A_250 : vector<32xbf16>
        %mul3A_252 = arith.mulf %exp3A_238, %add3A_248 : vector<32xbf16>
        %add3A_253 = arith.addf %max3A_251, %mul3A_252 : vector<32xbf16>
        %unpack3A_254 = tpu.unpack_subelements %add3A_253, 0 {pack_format = #tpu.pack_format<interleaved>} : vector<32xbf16> -> vector<16xf32>
        %unpack3A_255 = tpu.unpack_subelements %add3A_253, 1 {pack_format = #tpu.pack_format<interleaved>} : vector<32xbf16> -> vector<16xf32>
        %swap3A_256 = arith.index_cast %scan3A_197 : i32 to index
        %swap3A_257 = arith.constant 32 : index
        %swap3A_258 = tpu.vector_load %arg11[%swap3A_256, %swap3A_257] {strides = array<i32>} : memref<128x128xf32, #tpu.memory_space<vmem>>, vector<16xf32>,
        tpu.vector_store %arg11[%swap3A_256, %swap3A_257], %unpack3A_254 {strides = array<i32>} : memref<128x128xf32, #tpu.memory_space<vmem>>, vector<16xf32>,
        %swap3A_259 = arith.index_cast %scan3A_197 : i32 to index
        %swap3A_260 = arith.constant 48 : index
        %swap3A_261 = tpu.vector_load %arg11[%swap3A_259, %swap3A_260] {strides = array<i32>} : memref<128x128xf32, #tpu.memory_space<vmem>>, vector<16xf32>,
        tpu.vector_store %arg11[%swap3A_259, %swap3A_260], %unpack3A_255 {strides = array<i32>} : memref<128x128xf32, #tpu.memory_space<vmem>>, vector<16xf32>,
        %get3A_262 = arith.index_cast %scan3A_197 : i32 to index
        %get3A_263 = arith.constant 64 : index
        %get3A_264 = tpu.vector_load %arg8[%get3A_262, %get3A_263] {strides = array<i32>} : memref<128x128xf32, #tpu.memory_space<vmem>>, vector<16xf32>,
        %get3A_265 = arith.index_cast %scan3A_197 : i32 to index
        %get3A_266 = arith.constant 80 : index
        %get3A_267 = tpu.vector_load %arg8[%get3A_265, %get3A_266] {strides = array<i32>} : memref<128x128xf32, #tpu.memory_space<vmem>>, vector<16xf32>,
        %pack3A_268 = tpu.pack_subelements %get3A_264, %get3A_267 {pack_format = #tpu.pack_format<interleaved>, positions = array<i32: 0, 1>} : vector<16xf32>, vector<16xf32> -> vector<32xbf16>
        %bitcast_convert_type3A_269 = tpu.bitcast %pack3A_268 : vector<32xbf16> -> vector<32xi16>
        %or3A_270 = arith.constant -32768 : i16
        %or3A_271 = vector.broadcast %or3A_270 : i16 to vector<32xi16>
        %or3A_272 = arith.ori %bitcast_convert_type3A_269, %or3A_271 : vector<32xi16>
        %bitcast_convert_type3A_273 = tpu.bitcast %or3A_272 : vector<32xi16> -> vector<32xbf16>
        %exp3A_274 = math.exp %bitcast_convert_type3A_273 : vector<32xbf16>
        %mul3A_275 = arith.constant 1.396480e-01 : bf16
        %mul3A_276 = vector.broadcast %mul3A_275 : bf16 to vector<32xbf16>
        %mul3A_277 = arith.mulf %mul3A_276, %exp3A_274 : vector<32xbf16>
        %add3A_278 = arith.constant -4.414060e-01 : bf16
        %add3A_279 = vector.broadcast %add3A_278 : bf16 to vector<32xbf16>
        %add3A_280 = arith.addf %mul3A_277, %add3A_279 : vector<32xbf16>
        %mul3A_281 = arith.mulf %add3A_280, %exp3A_274 : vector<32xbf16>
        %add3A_282 = arith.constant 9.960930e-01 : bf16
        %add3A_283 = vector.broadcast %add3A_282 : bf16 to vector<32xbf16>
        %add3A_284 = arith.addf %mul3A_281, %add3A_283 : vector<32xbf16>
        %max3A_285 = arith.constant 0.000000e+00 : bf16
        %max3A_286 = vector.broadcast %max3A_285 : bf16 to vector<32xbf16>
        %max3A_287 = arith.maximumf %pack3A_268, %max3A_286 : vector<32xbf16>
        %mul3A_288 = arith.mulf %exp3A_274, %add3A_284 : vector<32xbf16>
        %add3A_289 = arith.addf %max3A_287, %mul3A_288 : vector<32xbf16>
        %unpack3A_290 = tpu.unpack_subelements %add3A_289, 0 {pack_format = #tpu.pack_format<interleaved>} : vector<32xbf16> -> vector<16xf32>
        %unpack3A_291 = tpu.unpack_subelements %add3A_289, 1 {pack_format = #tpu.pack_format<interleaved>} : vector<32xbf16> -> vector<16xf32>
        %swap3A_292 = arith.index_cast %scan3A_197 : i32 to index
        %swap3A_293 = arith.constant 64 : index
        %swap3A_294 = tpu.vector_load %arg11[%swap3A_292, %swap3A_293] {strides = array<i32>} : memref<128x128xf32, #tpu.memory_space<vmem>>, vector<16xf32>,
        tpu.vector_store %arg11[%swap3A_292, %swap3A_293], %unpack3A_290 {strides = array<i32>} : memref<128x128xf32, #tpu.memory_space<vmem>>, vector<16xf32>,
        %swap3A_295 = arith.index_cast %scan3A_197 : i32 to index
        %swap3A_296 = arith.constant 80 : index
        %swap3A_297 = tpu.vector_load %arg11[%swap3A_295, %swap3A_296] {strides = array<i32>} : memref<128x128xf32, #tpu.memory_space<vmem>>, vector<16xf32>,
        tpu.vector_store %arg11[%swap3A_295, %swap3A_296], %unpack3A_291 {strides = array<i32>} : memref<128x128xf32, #tpu.memory_space<vmem>>, vector<16xf32>,
        %get3A_298 = arith.index_cast %scan3A_197 : i32 to index
        %get3A_299 = arith.constant 96 : index
        %get3A_300 = tpu.vector_load %arg8[%get3A_298, %get3A_299] {strides = array<i32>} : memref<128x128xf32, #tpu.memory_space<vmem>>, vector<16xf32>,
        %get3A_301 = arith.index_cast %scan3A_197 : i32 to index
        %get3A_302 = arith.constant 112 : index
        %get3A_303 = tpu.vector_load %arg8[%get3A_301, %get3A_302] {strides = array<i32>} : memref<128x128xf32, #tpu.memory_space<vmem>>, vector<16xf32>,
        %pack3A_304 = tpu.pack_subelements %get3A_300, %get3A_303 {pack_format = #tpu.pack_format<interleaved>, positions = array<i32: 0, 1>} : vector<16xf32>, vector<16xf32> -> vector<32xbf16>
        %bitcast_convert_type3A_305 = tpu.bitcast %pack3A_304 : vector<32xbf16> -> vector<32xi16>
        %or3A_306 = arith.constant -32768 : i16
        %or3A_307 = vector.broadcast %or3A_306 : i16 to vector<32xi16>
        %or3A_308 = arith.ori %bitcast_convert_type3A_305, %or3A_307 : vector<32xi16>
        %bitcast_convert_type3A_309 = tpu.bitcast %or3A_308 : vector<32xi16> -> vector<32xbf16>
        %exp3A_310 = math.exp %bitcast_convert_type3A_309 : vector<32xbf16>
        %mul3A_311 = arith.constant 1.396480e-01 : bf16
        %mul3A_312 = vector.broadcast %mul3A_311 : bf16 to vector<32xbf16>
        %mul3A_313 = arith.mulf %mul3A_312, %exp3A_310 : vector<32xbf16>
        %add3A_314 = arith.constant -4.414060e-01 : bf16
        %add3A_315 = vector.broadcast %add3A_314 : bf16 to vector<32xbf16>
        %add3A_316 = arith.addf %mul3A_313, %add3A_315 : vector<32xbf16>
        %mul3A_317 = arith.mulf %add3A_316, %exp3A_310 : vector<32xbf16>
        %add3A_318 = arith.constant 9.960930e-01 : bf16
        %add3A_319 = vector.broadcast %add3A_318 : bf16 to vector<32xbf16>
        %add3A_320 = arith.addf %mul3A_317, %add3A_319 : vector<32xbf16>
        %max3A_321 = arith.constant 0.000000e+00 : bf16
        %max3A_322 = vector.broadcast %max3A_321 : bf16 to vector<32xbf16>
        %max3A_323 = arith.maximumf %pack3A_304, %max3A_322 : vector<32xbf16>
        %mul3A_324 = arith.mulf %exp3A_310, %add3A_320 : vector<32xbf16>
        %add3A_325 = arith.addf %max3A_323, %mul3A_324 : vector<32xbf16>
        %unpack3A_326 = tpu.unpack_subelements %add3A_325, 0 {pack_format = #tpu.pack_format<interleaved>} : vector<32xbf16> -> vector<16xf32>
        %unpack3A_327 = tpu.unpack_subelements %add3A_325, 1 {pack_format = #tpu.pack_format<interleaved>} : vector<32xbf16> -> vector<16xf32>
        %swap3A_328 = arith.index_cast %scan3A_197 : i32 to index
        %swap3A_329 = arith.constant 96 : index
        %swap3A_330 = tpu.vector_load %arg11[%swap3A_328, %swap3A_329] {strides = array<i32>} : memref<128x128xf32, #tpu.memory_space<vmem>>, vector<16xf32>,
        tpu.vector_store %arg11[%swap3A_328, %swap3A_329], %unpack3A_326 {strides = array<i32>} : memref<128x128xf32, #tpu.memory_space<vmem>>, vector<16xf32>,
        %swap3A_331 = arith.index_cast %scan3A_197 : i32 to index
        %swap3A_332 = arith.constant 112 : index
        %swap3A_333 = tpu.vector_load %arg11[%swap3A_331, %swap3A_332] {strides = array<i32>} : memref<128x128xf32, #tpu.memory_space<vmem>>, vector<16xf32>,
        tpu.vector_store %arg11[%swap3A_331, %swap3A_332], %unpack3A_327 {strides = array<i32>} : memref<128x128xf32, #tpu.memory_space<vmem>>, vector<16xf32>,
      }
      %scan3A_182 = arith.constant 128 : i32
      %mul3A_183 = arith.constant 4096 : i32
      %mul3A_184 = arith.muli %add3A_165, %mul3A_183 : i32
      %add3A_185 = arith.addi %mul3A_184, %mul3A_2 : i32
      %dma_start3A_186 = arith.constant 0 : i32
      %dma_start3A_187 = tpu.memref_slice %arg4[%add3A_185, %dma_start3A_186] : memref<204800x128xf32, #tpu.memory_space<hbm>> -> memref<128x128xf32, #tpu.memory_space<hbm>>
      %dma_start3A_188 = arith.constant 0 : i32
      %dma_start3A_189 = tpu.memref_slice %arg4[%add3A_185, %dma_start3A_188] : memref<204800x128xf32, #tpu.memory_space<hbm>> -> memref<128x128xf32, #tpu.memory_space<hbm>>
      tpu.enqueue_dma source(%arg11 : memref<128x128xf32, #tpu.memory_space<vmem>>) target(%dma_start3A_189 : memref<128x128xf32, #tpu.memory_space<hbm>>) target_semaphore(%arg17 : memref<!tpu.dma_semaphore, #tpu.memory_space<semaphore_mem>>)
      %add3A_190 = arith.constant 3 : i32
      %add3A_191 = arith.addi %add3A_165, %add3A_190 : i32
      %lt3A_192 = arith.constant 50 : i32
      %lt3A_193 = arith.cmpi slt, %add3A_191, %lt3A_192 : i32
      %convert_element_type3A_194 = arith.extui %lt3A_193 : i1 to i32
      %cond3A_195 = arith.constant 0 : i32
      %cond3A_196 = arith.cmpi ne, %convert_element_type3A_194, %cond3A_195 : i32
      scf.if %cond3A_196 {
        %add3A_197 = arith.constant 3 : i32
        %add3A_198 = arith.addi %add3A_165, %add3A_197 : i32
        %dma_start3A_199 = arith.constant 0 : i32
        %dma_start3A_200 = tpu.memref_slice %arg5[%add3A_198, %dma_start3A_199] : memref<50x128xi32, #tpu.memory_space<vmem>> -> memref<1x128xi32, #tpu.memory_space<vmem>>
        %dma_start3A_201 = tpu.memref_squeeze %dma_start3A_200 : memref<1x128xi32, #tpu.memory_space<vmem>> -> memref<128xi32, #tpu.memory_space<vmem>>
        %dma_start3A_202 = arith.constant 0 : i32
        %dma_start3A_203 = arith.constant 0 : i32
        %dma_start3A_204 = tpu.memref_slice %arg2[%dma_start3A_202, %dma_start3A_203] : memref<100000x128xf32, #tpu.memory_space<hbm>> -> memref<100000x128xf32, #tpu.memory_space<hbm>>
        tpu.enqueue_indirect_dma source(%dma_start3A_204 : memref<100000x128xf32, #tpu.memory_space<hbm>>) target(%arg8 : memref<128x128xf32, #tpu.memory_space<vmem>>) offsets(%dma_start3A_201 : memref<128xi32, #tpu.memory_space<vmem>>) semaphore(%arg14 : memref<!tpu.dma_semaphore, #tpu.memory_space<semaphore_mem>>)
      } else {
      }
    }
    %scan3A_27 = arith.constant 16 : i32
    %dma_wait3A = arith.constant 48 : i32
    %dma_wait3A_28 = arith.constant 0 : i32
    %dma_wait3A_29 = tpu.memref_slice %arg5[%dma_wait3A, %dma_wait3A_28] : memref<50x128xi32, #tpu.memory_space<vmem>> -> memref<1x128xi32, #tpu.memory_space<vmem>>
    %dma_wait3A_30 = tpu.memref_squeeze %dma_wait3A_29 : memref<1x128xi32, #tpu.memory_space<vmem>> -> memref<128xi32, #tpu.memory_space<vmem>>
    %dma_wait3A_31 = arith.constant 0 : i32
    %dma_wait3A_32 = arith.constant 0 : i32
    %dma_wait3A_33 = tpu.memref_slice %arg2[%dma_wait3A_31, %dma_wait3A_32] : memref<100000x128xf32, #tpu.memory_space<hbm>> -> memref<100000x128xf32, #tpu.memory_space<hbm>>
    tpu.wait_indirect_dma semaphore(%arg12 : memref<!tpu.dma_semaphore, #tpu.memory_space<semaphore_mem>>) src(%dma_wait3A_33 : memref<100000x128xf32, #tpu.memory_space<hbm>>) dst(%arg6 : memref<128x128xf32, #tpu.memory_space<vmem>>)
    %add3A_34 = arith.constant 184320 : i32
    %add3A_35 = arith.addi %add3A_34, %mul3A_2 : i32
    %dma_wait3A_36 = arith.constant 0 : i32
    %dma_wait3A_37 = tpu.memref_slice %arg4[%add3A_35, %dma_wait3A_36] : memref<204800x128xf32, #tpu.memory_space<hbm>> -> memref<128x128xf32, #tpu.memory_space<hbm>>
    %dma_wait3A_38 = arith.constant 0 : i32
    %dma_wait3A_39 = tpu.memref_slice %arg4[%add3A_35, %dma_wait3A_38] : memref<204800x128xf32, #tpu.memory_space<hbm>> -> memref<128x128xf32, #tpu.memory_space<hbm>>
    tpu.wait_dma2 semaphore(%arg15 : memref<!tpu.dma_semaphore, #tpu.memory_space<semaphore_mem>>) src(%arg9 : memref<128x128xf32, #tpu.memory_space<vmem>>) dst(%dma_wait3A_39 : memref<128x128xf32, #tpu.memory_space<hbm>>)
    %scan3A_40 = arith.constant 0 : i32
    %scan3A_41 = arith.constant 0 : i32
    %scan3A_42 = arith.constant 128 : i32
    %scan3A_43 = arith.addi %scan3A_41, %scan3A_42 : i32
    %scan3A_44 = arith.constant 1 : i32
    scf.for %scan3A_95 = %scan3A_41 to %scan3A_43 step %scan3A_44  : i32 {
      %get3A = arith.index_cast %scan3A_95 : i32 to index
      %get3A_96 = arith.constant 0 : index
      %get3A_97 = tpu.vector_load %arg6[%get3A, %get3A_96] {strides = array<i32>} : memref<128x128xf32, #tpu.memory_space<vmem>>, vector<16xf32>,
      %get3A_98 = arith.index_cast %scan3A_95 : i32 to index
      %get3A_99 = arith.constant 16 : index
      %get3A_100 = tpu.vector_load %arg6[%get3A_98, %get3A_99] {strides = array<i32>} : memref<128x128xf32, #tpu.memory_space<vmem>>, vector<16xf32>,
      %pack3A = tpu.pack_subelements %get3A_97, %get3A_100 {pack_format = #tpu.pack_format<interleaved>, positions = array<i32: 0, 1>} : vector<16xf32>, vector<16xf32> -> vector<32xbf16>
      %bitcast_convert_type3A = tpu.bitcast %pack3A : vector<32xbf16> -> vector<32xi16>
      %or3A = arith.constant -32768 : i16
      %or3A_101 = vector.broadcast %or3A : i16 to vector<32xi16>
      %or3A_102 = arith.ori %bitcast_convert_type3A, %or3A_101 : vector<32xi16>
      %bitcast_convert_type3A_103 = tpu.bitcast %or3A_102 : vector<32xi16> -> vector<32xbf16>
      %exp3A = math.exp %bitcast_convert_type3A_103 : vector<32xbf16>
      %mul3A_104 = arith.constant 1.396480e-01 : bf16
      %mul3A_105 = vector.broadcast %mul3A_104 : bf16 to vector<32xbf16>
      %mul3A_106 = arith.mulf %mul3A_105, %exp3A : vector<32xbf16>
      %add3A_107 = arith.constant -4.414060e-01 : bf16
      %add3A_108 = vector.broadcast %add3A_107 : bf16 to vector<32xbf16>
      %add3A_109 = arith.addf %mul3A_106, %add3A_108 : vector<32xbf16>
      %mul3A_110 = arith.mulf %add3A_109, %exp3A : vector<32xbf16>
      %add3A_111 = arith.constant 9.960930e-01 : bf16
      %add3A_112 = vector.broadcast %add3A_111 : bf16 to vector<32xbf16>
      %add3A_113 = arith.addf %mul3A_110, %add3A_112 : vector<32xbf16>
      %max3A = arith.constant 0.000000e+00 : bf16
      %max3A_114 = vector.broadcast %max3A : bf16 to vector<32xbf16>
      %max3A_115 = arith.maximumf %pack3A, %max3A_114 : vector<32xbf16>
      %mul3A_116 = arith.mulf %exp3A, %add3A_113 : vector<32xbf16>
      %add3A_117 = arith.addf %max3A_115, %mul3A_116 : vector<32xbf16>
      %unpack3A = tpu.unpack_subelements %add3A_117, 0 {pack_format = #tpu.pack_format<interleaved>} : vector<32xbf16> -> vector<16xf32>
      %unpack3A_118 = tpu.unpack_subelements %add3A_117, 1 {pack_format = #tpu.pack_format<interleaved>} : vector<32xbf16> -> vector<16xf32>
      %swap3A = arith.index_cast %scan3A_95 : i32 to index
      %swap3A_119 = arith.constant 0 : index
      %swap3A_120 = tpu.vector_load %arg9[%swap3A, %swap3A_119] {strides = array<i32>} : memref<128x128xf32, #tpu.memory_space<vmem>>, vector<16xf32>,
      tpu.vector_store %arg9[%swap3A, %swap3A_119], %unpack3A {strides = array<i32>} : memref<128x128xf32, #tpu.memory_space<vmem>>, vector<16xf32>,
      %swap3A_121 = arith.index_cast %scan3A_95 : i32 to index
      %swap3A_122 = arith.constant 16 : index
      %swap3A_123 = tpu.vector_load %arg9[%swap3A_121, %swap3A_122] {strides = array<i32>} : memref<128x128xf32, #tpu.memory_space<vmem>>, vector<16xf32>,
      tpu.vector_store %arg9[%swap3A_121, %swap3A_122], %unpack3A_118 {strides = array<i32>} : memref<128x128xf32, #tpu.memory_space<vmem>>, vector<16xf32>,
      %get3A_124 = arith.index_cast %scan3A_95 : i32 to index
      %get3A_125 = arith.constant 32 : index
      %get3A_126 = tpu.vector_load %arg6[%get3A_124, %get3A_125] {strides = array<i32>} : memref<128x128xf32, #tpu.memory_space<vmem>>, vector<16xf32>,
      %get3A_127 = arith.index_cast %scan3A_95 : i32 to index
      %get3A_128 = arith.constant 48 : index
      %get3A_129 = tpu.vector_load %arg6[%get3A_127, %get3A_128] {strides = array<i32>} : memref<128x128xf32, #tpu.memory_space<vmem>>, vector<16xf32>,
      %pack3A_130 = tpu.pack_subelements %get3A_126, %get3A_129 {pack_format = #tpu.pack_format<interleaved>, positions = array<i32: 0, 1>} : vector<16xf32>, vector<16xf32> -> vector<32xbf16>
      %bitcast_convert_type3A_131 = tpu.bitcast %pack3A_130 : vector<32xbf16> -> vector<32xi16>
      %or3A_132 = arith.constant -32768 : i16
      %or3A_133 = vector.broadcast %or3A_132 : i16 to vector<32xi16>
      %or3A_134 = arith.ori %bitcast_convert_type3A_131, %or3A_133 : vector<32xi16>
      %bitcast_convert_type3A_135 = tpu.bitcast %or3A_134 : vector<32xi16> -> vector<32xbf16>
      %exp3A_136 = math.exp %bitcast_convert_type3A_135 : vector<32xbf16>
      %mul3A_137 = arith.constant 1.396480e-01 : bf16
      %mul3A_138 = vector.broadcast %mul3A_137 : bf16 to vector<32xbf16>
      %mul3A_139 = arith.mulf %mul3A_138, %exp3A_136 : vector<32xbf16>
      %add3A_140 = arith.constant -4.414060e-01 : bf16
      %add3A_141 = vector.broadcast %add3A_140 : bf16 to vector<32xbf16>
      %add3A_142 = arith.addf %mul3A_139, %add3A_141 : vector<32xbf16>
      %mul3A_143 = arith.mulf %add3A_142, %exp3A_136 : vector<32xbf16>
      %add3A_144 = arith.constant 9.960930e-01 : bf16
      %add3A_145 = vector.broadcast %add3A_144 : bf16 to vector<32xbf16>
      %add3A_146 = arith.addf %mul3A_143, %add3A_145 : vector<32xbf16>
      %max3A_147 = arith.constant 0.000000e+00 : bf16
      %max3A_148 = vector.broadcast %max3A_147 : bf16 to vector<32xbf16>
      %max3A_149 = arith.maximumf %pack3A_130, %max3A_148 : vector<32xbf16>
      %mul3A_150 = arith.mulf %exp3A_136, %add3A_146 : vector<32xbf16>
      %add3A_151 = arith.addf %max3A_149, %mul3A_150 : vector<32xbf16>
      %unpack3A_152 = tpu.unpack_subelements %add3A_151, 0 {pack_format = #tpu.pack_format<interleaved>} : vector<32xbf16> -> vector<16xf32>
      %unpack3A_153 = tpu.unpack_subelements %add3A_151, 1 {pack_format = #tpu.pack_format<interleaved>} : vector<32xbf16> -> vector<16xf32>
      %swap3A_154 = arith.index_cast %scan3A_95 : i32 to index
      %swap3A_155 = arith.constant 32 : index
      %swap3A_156 = tpu.vector_load %arg9[%swap3A_154, %swap3A_155] {strides = array<i32>} : memref<128x128xf32, #tpu.memory_space<vmem>>, vector<16xf32>,
      tpu.vector_store %arg9[%swap3A_154, %swap3A_155], %unpack3A_152 {strides = array<i32>} : memref<128x128xf32, #tpu.memory_space<vmem>>, vector<16xf32>,
      %swap3A_157 = arith.index_cast %scan3A_95 : i32 to index
      %swap3A_158 = arith.constant 48 : index
      %swap3A_159 = tpu.vector_load %arg9[%swap3A_157, %swap3A_158] {strides = array<i32>} : memref<128x128xf32, #tpu.memory_space<vmem>>, vector<16xf32>,
      tpu.vector_store %arg9[%swap3A_157, %swap3A_158], %unpack3A_153 {strides = array<i32>} : memref<128x128xf32, #tpu.memory_space<vmem>>, vector<16xf32>,
      %get3A_160 = arith.index_cast %scan3A_95 : i32 to index
      %get3A_161 = arith.constant 64 : index
      %get3A_162 = tpu.vector_load %arg6[%get3A_160, %get3A_161] {strides = array<i32>} : memref<128x128xf32, #tpu.memory_space<vmem>>, vector<16xf32>,
      %get3A_163 = arith.index_cast %scan3A_95 : i32 to index
      %get3A_164 = arith.constant 80 : index
      %get3A_165 = tpu.vector_load %arg6[%get3A_163, %get3A_164] {strides = array<i32>} : memref<128x128xf32, #tpu.memory_space<vmem>>, vector<16xf32>,
      %pack3A_166 = tpu.pack_subelements %get3A_162, %get3A_165 {pack_format = #tpu.pack_format<interleaved>, positions = array<i32: 0, 1>} : vector<16xf32>, vector<16xf32> -> vector<32xbf16>
      %bitcast_convert_type3A_167 = tpu.bitcast %pack3A_166 : vector<32xbf16> -> vector<32xi16>
      %or3A_168 = arith.constant -32768 : i16
      %or3A_169 = vector.broadcast %or3A_168 : i16 to vector<32xi16>
      %or3A_170 = arith.ori %bitcast_convert_type3A_167, %or3A_169 : vector<32xi16>
      %bitcast_convert_type3A_171 = tpu.bitcast %or3A_170 : vector<32xi16> -> vector<32xbf16>
      %exp3A_172 = math.exp %bitcast_convert_type3A_171 : vector<32xbf16>
      %mul3A_173 = arith.constant 1.396480e-01 : bf16
      %mul3A_174 = vector.broadcast %mul3A_173 : bf16 to vector<32xbf16>
      %mul3A_175 = arith.mulf %mul3A_174, %exp3A_172 : vector<32xbf16>
      %add3A_176 = arith.constant -4.414060e-01 : bf16
      %add3A_177 = vector.broadcast %add3A_176 : bf16 to vector<32xbf16>
      %add3A_178 = arith.addf %mul3A_175, %add3A_177 : vector<32xbf16>
      %mul3A_179 = arith.mulf %add3A_178, %exp3A_172 : vector<32xbf16>
      %add3A_180 = arith.constant 9.960930e-01 : bf16
      %add3A_181 = vector.broadcast %add3A_180 : bf16 to vector<32xbf16>
      %add3A_182 = arith.addf %mul3A_179, %add3A_181 : vector<32xbf16>
      %max3A_183 = arith.constant 0.000000e+00 : bf16
      %max3A_184 = vector.broadcast %max3A_183 : bf16 to vector<32xbf16>
      %max3A_185 = arith.maximumf %pack3A_166, %max3A_184 : vector<32xbf16>
      %mul3A_186 = arith.mulf %exp3A_172, %add3A_182 : vector<32xbf16>
      %add3A_187 = arith.addf %max3A_185, %mul3A_186 : vector<32xbf16>
      %unpack3A_188 = tpu.unpack_subelements %add3A_187, 0 {pack_format = #tpu.pack_format<interleaved>} : vector<32xbf16> -> vector<16xf32>
      %unpack3A_189 = tpu.unpack_subelements %add3A_187, 1 {pack_format = #tpu.pack_format<interleaved>} : vector<32xbf16> -> vector<16xf32>
      %swap3A_190 = arith.index_cast %scan3A_95 : i32 to index
      %swap3A_191 = arith.constant 64 : index
      %swap3A_192 = tpu.vector_load %arg9[%swap3A_190, %swap3A_191] {strides = array<i32>} : memref<128x128xf32, #tpu.memory_space<vmem>>, vector<16xf32>,
      tpu.vector_store %arg9[%swap3A_190, %swap3A_191], %unpack3A_188 {strides = array<i32>} : memref<128x128xf32, #tpu.memory_space<vmem>>, vector<16xf32>,
      %swap3A_193 = arith.index_cast %scan3A_95 : i32 to index
      %swap3A_194 = arith.constant 80 : index
      %swap3A_195 = tpu.vector_load %arg9[%swap3A_193, %swap3A_194] {strides = array<i32>} : memref<128x128xf32, #tpu.memory_space<vmem>>, vector<16xf32>,
      tpu.vector_store %arg9[%swap3A_193, %swap3A_194], %unpack3A_189 {strides = array<i32>} : memref<128x128xf32, #tpu.memory_space<vmem>>, vector<16xf32>,
      %get3A_196 = arith.index_cast %scan3A_95 : i32 to index
      %get3A_197 = arith.constant 96 : index
      %get3A_198 = tpu.vector_load %arg6[%get3A_196, %get3A_197] {strides = array<i32>} : memref<128x128xf32, #tpu.memory_space<vmem>>, vector<16xf32>,
      %get3A_199 = arith.index_cast %scan3A_95 : i32 to index
      %get3A_200 = arith.constant 112 : index
      %get3A_201 = tpu.vector_load %arg6[%get3A_199, %get3A_200] {strides = array<i32>} : memref<128x128xf32, #tpu.memory_space<vmem>>, vector<16xf32>,
      %pack3A_202 = tpu.pack_subelements %get3A_198, %get3A_201 {pack_format = #tpu.pack_format<interleaved>, positions = array<i32: 0, 1>} : vector<16xf32>, vector<16xf32> -> vector<32xbf16>
      %bitcast_convert_type3A_203 = tpu.bitcast %pack3A_202 : vector<32xbf16> -> vector<32xi16>
      %or3A_204 = arith.constant -32768 : i16
      %or3A_205 = vector.broadcast %or3A_204 : i16 to vector<32xi16>
      %or3A_206 = arith.ori %bitcast_convert_type3A_203, %or3A_205 : vector<32xi16>
      %bitcast_convert_type3A_207 = tpu.bitcast %or3A_206 : vector<32xi16> -> vector<32xbf16>
      %exp3A_208 = math.exp %bitcast_convert_type3A_207 : vector<32xbf16>
      %mul3A_209 = arith.constant 1.396480e-01 : bf16
      %mul3A_210 = vector.broadcast %mul3A_209 : bf16 to vector<32xbf16>
      %mul3A_211 = arith.mulf %mul3A_210, %exp3A_208 : vector<32xbf16>
      %add3A_212 = arith.constant -4.414060e-01 : bf16
      %add3A_213 = vector.broadcast %add3A_212 : bf16 to vector<32xbf16>
      %add3A_214 = arith.addf %mul3A_211, %add3A_213 : vector<32xbf16>
      %mul3A_215 = arith.mulf %add3A_214, %exp3A_208 : vector<32xbf16>
      %add3A_216 = arith.constant 9.960930e-01 : bf16
      %add3A_217 = vector.broadcast %add3A_216 : bf16 to vector<32xbf16>
      %add3A_218 = arith.addf %mul3A_215, %add3A_217 : vector<32xbf16>
      %max3A_219 = arith.constant 0.000000e+00 : bf16
      %max3A_220 = vector.broadcast %max3A_219 : bf16 to vector<32xbf16>
      %max3A_221 = arith.maximumf %pack3A_202, %max3A_220 : vector<32xbf16>
      %mul3A_222 = arith.mulf %exp3A_208, %add3A_218 : vector<32xbf16>
      %add3A_223 = arith.addf %max3A_221, %mul3A_222 : vector<32xbf16>
      %unpack3A_224 = tpu.unpack_subelements %add3A_223, 0 {pack_format = #tpu.pack_format<interleaved>} : vector<32xbf16> -> vector<16xf32>
      %unpack3A_225 = tpu.unpack_subelements %add3A_223, 1 {pack_format = #tpu.pack_format<interleaved>} : vector<32xbf16> -> vector<16xf32>
      %swap3A_226 = arith.index_cast %scan3A_95 : i32 to index
      %swap3A_227 = arith.constant 96 : index
      %swap3A_228 = tpu.vector_load %arg9[%swap3A_226, %swap3A_227] {strides = array<i32>} : memref<128x128xf32, #tpu.memory_space<vmem>>, vector<16xf32>,
      tpu.vector_store %arg9[%swap3A_226, %swap3A_227], %unpack3A_224 {strides = array<i32>} : memref<128x128xf32, #tpu.memory_space<vmem>>, vector<16xf32>,
      %swap3A_229 = arith.index_cast %scan3A_95 : i32 to index
      %swap3A_230 = arith.constant 112 : index
      %swap3A_231 = tpu.vector_load %arg9[%swap3A_229, %swap3A_230] {strides = array<i32>} : memref<128x128xf32, #tpu.memory_space<vmem>>, vector<16xf32>,
      tpu.vector_store %arg9[%swap3A_229, %swap3A_230], %unpack3A_225 {strides = array<i32>} : memref<128x128xf32, #tpu.memory_space<vmem>>, vector<16xf32>,
    }
    %scan3A_45 = arith.constant 128 : i32
    %add3A_46 = arith.constant 196608 : i32
    %add3A_47 = arith.addi %add3A_46, %mul3A_2 : i32
    %dma_start3A_48 = arith.constant 0 : i32
    %dma_start3A_49 = tpu.memref_slice %arg4[%add3A_47, %dma_start3A_48] : memref<204800x128xf32, #tpu.memory_space<hbm>> -> memref<128x128xf32, #tpu.memory_space<hbm>>
    %dma_start3A_50 = arith.constant 0 : i32
    %dma_start3A_51 = tpu.memref_slice %arg4[%add3A_47, %dma_start3A_50] : memref<204800x128xf32, #tpu.memory_space<hbm>> -> memref<128x128xf32, #tpu.memory_space<hbm>>
    tpu.enqueue_dma source(%arg9 : memref<128x128xf32, #tpu.memory_space<vmem>>) target(%dma_start3A_51 : memref<128x128xf32, #tpu.memory_space<hbm>>) target_semaphore(%arg15 : memref<!tpu.dma_semaphore, #tpu.memory_space<semaphore_mem>>)
    %dma_wait3A_52 = arith.constant 49 : i32
    %dma_wait3A_53 = arith.constant 0 : i32
    %dma_wait3A_54 = tpu.memref_slice %arg5[%dma_wait3A_52, %dma_wait3A_53] : memref<50x128xi32, #tpu.memory_space<vmem>> -> memref<1x128xi32, #tpu.memory_space<vmem>>
    %dma_wait3A_55 = tpu.memref_squeeze %dma_wait3A_54 : memref<1x128xi32, #tpu.memory_space<vmem>> -> memref<128xi32, #tpu.memory_space<vmem>>
    %dma_wait3A_56 = arith.constant 0 : i32
    %dma_wait3A_57 = arith.constant 0 : i32
    %dma_wait3A_58 = tpu.memref_slice %arg2[%dma_wait3A_56, %dma_wait3A_57] : memref<100000x128xf32, #tpu.memory_space<hbm>> -> memref<100000x128xf32, #tpu.memory_space<hbm>>
    tpu.wait_indirect_dma semaphore(%arg13 : memref<!tpu.dma_semaphore, #tpu.memory_space<semaphore_mem>>) src(%dma_wait3A_58 : memref<100000x128xf32, #tpu.memory_space<hbm>>) dst(%arg7 : memref<128x128xf32, #tpu.memory_space<vmem>>)
    %add3A_59 = arith.constant 188416 : i32
    %add3A_60 = arith.addi %add3A_59, %mul3A_2 : i32
    %dma_wait3A_61 = arith.constant 0 : i32
    %dma_wait3A_62 = tpu.memref_slice %arg4[%add3A_60, %dma_wait3A_61] : memref<204800x128xf32, #tpu.memory_space<hbm>> -> memref<128x128xf32, #tpu.memory_space<hbm>>
    %dma_wait3A_63 = arith.constant 0 : i32
    %dma_wait3A_64 = tpu.memref_slice %arg4[%add3A_60, %dma_wait3A_63] : memref<204800x128xf32, #tpu.memory_space<hbm>> -> memref<128x128xf32, #tpu.memory_space<hbm>>
    tpu.wait_dma2 semaphore(%arg16 : memref<!tpu.dma_semaphore, #tpu.memory_space<semaphore_mem>>) src(%arg10 : memref<128x128xf32, #tpu.memory_space<vmem>>) dst(%dma_wait3A_64 : memref<128x128xf32, #tpu.memory_space<hbm>>)
    %scan3A_65 = arith.constant 0 : i32
    %scan3A_66 = arith.constant 0 : i32
    %scan3A_67 = arith.constant 128 : i32
    %scan3A_68 = arith.addi %scan3A_66, %scan3A_67 : i32
    %scan3A_69 = arith.constant 1 : i32
    scf.for %scan3A_95 = %scan3A_66 to %scan3A_68 step %scan3A_69  : i32 {
      %get3A = arith.index_cast %scan3A_95 : i32 to index
      %get3A_96 = arith.constant 0 : index
      %get3A_97 = tpu.vector_load %arg7[%get3A, %get3A_96] {strides = array<i32>} : memref<128x128xf32, #tpu.memory_space<vmem>>, vector<16xf32>,
      %get3A_98 = arith.index_cast %scan3A_95 : i32 to index
      %get3A_99 = arith.constant 16 : index
      %get3A_100 = tpu.vector_load %arg7[%get3A_98, %get3A_99] {strides = array<i32>} : memref<128x128xf32, #tpu.memory_space<vmem>>, vector<16xf32>,
      %pack3A = tpu.pack_subelements %get3A_97, %get3A_100 {pack_format = #tpu.pack_format<interleaved>, positions = array<i32: 0, 1>} : vector<16xf32>, vector<16xf32> -> vector<32xbf16>
      %bitcast_convert_type3A = tpu.bitcast %pack3A : vector<32xbf16> -> vector<32xi16>
      %or3A = arith.constant -32768 : i16
      %or3A_101 = vector.broadcast %or3A : i16 to vector<32xi16>
      %or3A_102 = arith.ori %bitcast_convert_type3A, %or3A_101 : vector<32xi16>
      %bitcast_convert_type3A_103 = tpu.bitcast %or3A_102 : vector<32xi16> -> vector<32xbf16>
      %exp3A = math.exp %bitcast_convert_type3A_103 : vector<32xbf16>
      %mul3A_104 = arith.constant 1.396480e-01 : bf16
      %mul3A_105 = vector.broadcast %mul3A_104 : bf16 to vector<32xbf16>
      %mul3A_106 = arith.mulf %mul3A_105, %exp3A : vector<32xbf16>
      %add3A_107 = arith.constant -4.414060e-01 : bf16
      %add3A_108 = vector.broadcast %add3A_107 : bf16 to vector<32xbf16>
      %add3A_109 = arith.addf %mul3A_106, %add3A_108 : vector<32xbf16>
      %mul3A_110 = arith.mulf %add3A_109, %exp3A : vector<32xbf16>
      %add3A_111 = arith.constant 9.960930e-01 : bf16
      %add3A_112 = vector.broadcast %add3A_111 : bf16 to vector<32xbf16>
      %add3A_113 = arith.addf %mul3A_110, %add3A_112 : vector<32xbf16>
      %max3A = arith.constant 0.000000e+00 : bf16
      %max3A_114 = vector.broadcast %max3A : bf16 to vector<32xbf16>
      %max3A_115 = arith.maximumf %pack3A, %max3A_114 : vector<32xbf16>
      %mul3A_116 = arith.mulf %exp3A, %add3A_113 : vector<32xbf16>
      %add3A_117 = arith.addf %max3A_115, %mul3A_116 : vector<32xbf16>
      %unpack3A = tpu.unpack_subelements %add3A_117, 0 {pack_format = #tpu.pack_format<interleaved>} : vector<32xbf16> -> vector<16xf32>
      %unpack3A_118 = tpu.unpack_subelements %add3A_117, 1 {pack_format = #tpu.pack_format<interleaved>} : vector<32xbf16> -> vector<16xf32>
      %swap3A = arith.index_cast %scan3A_95 : i32 to index
      %swap3A_119 = arith.constant 0 : index
      %swap3A_120 = tpu.vector_load %arg10[%swap3A, %swap3A_119] {strides = array<i32>} : memref<128x128xf32, #tpu.memory_space<vmem>>, vector<16xf32>,
      tpu.vector_store %arg10[%swap3A, %swap3A_119], %unpack3A {strides = array<i32>} : memref<128x128xf32, #tpu.memory_space<vmem>>, vector<16xf32>,
      %swap3A_121 = arith.index_cast %scan3A_95 : i32 to index
      %swap3A_122 = arith.constant 16 : index
      %swap3A_123 = tpu.vector_load %arg10[%swap3A_121, %swap3A_122] {strides = array<i32>} : memref<128x128xf32, #tpu.memory_space<vmem>>, vector<16xf32>,
      tpu.vector_store %arg10[%swap3A_121, %swap3A_122], %unpack3A_118 {strides = array<i32>} : memref<128x128xf32, #tpu.memory_space<vmem>>, vector<16xf32>,
      %get3A_124 = arith.index_cast %scan3A_95 : i32 to index
      %get3A_125 = arith.constant 32 : index
      %get3A_126 = tpu.vector_load %arg7[%get3A_124, %get3A_125] {strides = array<i32>} : memref<128x128xf32, #tpu.memory_space<vmem>>, vector<16xf32>,
      %get3A_127 = arith.index_cast %scan3A_95 : i32 to index
      %get3A_128 = arith.constant 48 : index
      %get3A_129 = tpu.vector_load %arg7[%get3A_127, %get3A_128] {strides = array<i32>} : memref<128x128xf32, #tpu.memory_space<vmem>>, vector<16xf32>,
      %pack3A_130 = tpu.pack_subelements %get3A_126, %get3A_129 {pack_format = #tpu.pack_format<interleaved>, positions = array<i32: 0, 1>} : vector<16xf32>, vector<16xf32> -> vector<32xbf16>
      %bitcast_convert_type3A_131 = tpu.bitcast %pack3A_130 : vector<32xbf16> -> vector<32xi16>
      %or3A_132 = arith.constant -32768 : i16
      %or3A_133 = vector.broadcast %or3A_132 : i16 to vector<32xi16>
      %or3A_134 = arith.ori %bitcast_convert_type3A_131, %or3A_133 : vector<32xi16>
      %bitcast_convert_type3A_135 = tpu.bitcast %or3A_134 : vector<32xi16> -> vector<32xbf16>
      %exp3A_136 = math.exp %bitcast_convert_type3A_135 : vector<32xbf16>
      %mul3A_137 = arith.constant 1.396480e-01 : bf16
      %mul3A_138 = vector.broadcast %mul3A_137 : bf16 to vector<32xbf16>
      %mul3A_139 = arith.mulf %mul3A_138, %exp3A_136 : vector<32xbf16>
      %add3A_140 = arith.constant -4.414060e-01 : bf16
      %add3A_141 = vector.broadcast %add3A_140 : bf16 to vector<32xbf16>
      %add3A_142 = arith.addf %mul3A_139, %add3A_141 : vector<32xbf16>
      %mul3A_143 = arith.mulf %add3A_142, %exp3A_136 : vector<32xbf16>
      %add3A_144 = arith.constant 9.960930e-01 : bf16
      %add3A_145 = vector.broadcast %add3A_144 : bf16 to vector<32xbf16>
      %add3A_146 = arith.addf %mul3A_143, %add3A_145 : vector<32xbf16>
      %max3A_147 = arith.constant 0.000000e+00 : bf16
      %max3A_148 = vector.broadcast %max3A_147 : bf16 to vector<32xbf16>
      %max3A_149 = arith.maximumf %pack3A_130, %max3A_148 : vector<32xbf16>
      %mul3A_150 = arith.mulf %exp3A_136, %add3A_146 : vector<32xbf16>
      %add3A_151 = arith.addf %max3A_149, %mul3A_150 : vector<32xbf16>
      %unpack3A_152 = tpu.unpack_subelements %add3A_151, 0 {pack_format = #tpu.pack_format<interleaved>} : vector<32xbf16> -> vector<16xf32>
      %unpack3A_153 = tpu.unpack_subelements %add3A_151, 1 {pack_format = #tpu.pack_format<interleaved>} : vector<32xbf16> -> vector<16xf32>
      %swap3A_154 = arith.index_cast %scan3A_95 : i32 to index
      %swap3A_155 = arith.constant 32 : index
      %swap3A_156 = tpu.vector_load %arg10[%swap3A_154, %swap3A_155] {strides = array<i32>} : memref<128x128xf32, #tpu.memory_space<vmem>>, vector<16xf32>,
      tpu.vector_store %arg10[%swap3A_154, %swap3A_155], %unpack3A_152 {strides = array<i32>} : memref<128x128xf32, #tpu.memory_space<vmem>>, vector<16xf32>,
      %swap3A_157 = arith.index_cast %scan3A_95 : i32 to index
      %swap3A_158 = arith.constant 48 : index
      %swap3A_159 = tpu.vector_load %arg10[%swap3A_157, %swap3A_158] {strides = array<i32>} : memref<128x128xf32, #tpu.memory_space<vmem>>, vector<16xf32>,
      tpu.vector_store %arg10[%swap3A_157, %swap3A_158], %unpack3A_153 {strides = array<i32>} : memref<128x128xf32, #tpu.memory_space<vmem>>, vector<16xf32>,
      %get3A_160 = arith.index_cast %scan3A_95 : i32 to index
      %get3A_161 = arith.constant 64 : index
      %get3A_162 = tpu.vector_load %arg7[%get3A_160, %get3A_161] {strides = array<i32>} : memref<128x128xf32, #tpu.memory_space<vmem>>, vector<16xf32>,
      %get3A_163 = arith.index_cast %scan3A_95 : i32 to index
      %get3A_164 = arith.constant 80 : index
      %get3A_165 = tpu.vector_load %arg7[%get3A_163, %get3A_164] {strides = array<i32>} : memref<128x128xf32, #tpu.memory_space<vmem>>, vector<16xf32>,
      %pack3A_166 = tpu.pack_subelements %get3A_162, %get3A_165 {pack_format = #tpu.pack_format<interleaved>, positions = array<i32: 0, 1>} : vector<16xf32>, vector<16xf32> -> vector<32xbf16>
      %bitcast_convert_type3A_167 = tpu.bitcast %pack3A_166 : vector<32xbf16> -> vector<32xi16>
      %or3A_168 = arith.constant -32768 : i16
      %or3A_169 = vector.broadcast %or3A_168 : i16 to vector<32xi16>
      %or3A_170 = arith.ori %bitcast_convert_type3A_167, %or3A_169 : vector<32xi16>
      %bitcast_convert_type3A_171 = tpu.bitcast %or3A_170 : vector<32xi16> -> vector<32xbf16>
      %exp3A_172 = math.exp %bitcast_convert_type3A_171 : vector<32xbf16>
      %mul3A_173 = arith.constant 1.396480e-01 : bf16
      %mul3A_174 = vector.broadcast %mul3A_173 : bf16 to vector<32xbf16>
      %mul3A_175 = arith.mulf %mul3A_174, %exp3A_172 : vector<32xbf16>
      %add3A_176 = arith.constant -4.414060e-01 : bf16
      %add3A_177 = vector.broadcast %add3A_176 : bf16 to vector<32xbf16>
      %add3A_178 = arith.addf %mul3A_175, %add3A_177 : vector<32xbf16>
      %mul3A_179 = arith.mulf %add3A_178, %exp3A_172 : vector<32xbf16>
      %add3A_180 = arith.constant 9.960930e-01 : bf16
      %add3A_181 = vector.broadcast %add3A_180 : bf16 to vector<32xbf16>
      %add3A_182 = arith.addf %mul3A_179, %add3A_181 : vector<32xbf16>
      %max3A_183 = arith.constant 0.000000e+00 : bf16
      %max3A_184 = vector.broadcast %max3A_183 : bf16 to vector<32xbf16>
      %max3A_185 = arith.maximumf %pack3A_166, %max3A_184 : vector<32xbf16>
      %mul3A_186 = arith.mulf %exp3A_172, %add3A_182 : vector<32xbf16>
      %add3A_187 = arith.addf %max3A_185, %mul3A_186 : vector<32xbf16>
      %unpack3A_188 = tpu.unpack_subelements %add3A_187, 0 {pack_format = #tpu.pack_format<interleaved>} : vector<32xbf16> -> vector<16xf32>
      %unpack3A_189 = tpu.unpack_subelements %add3A_187, 1 {pack_format = #tpu.pack_format<interleaved>} : vector<32xbf16> -> vector<16xf32>
      %swap3A_190 = arith.index_cast %scan3A_95 : i32 to index
      %swap3A_191 = arith.constant 64 : index
      %swap3A_192 = tpu.vector_load %arg10[%swap3A_190, %swap3A_191] {strides = array<i32>} : memref<128x128xf32, #tpu.memory_space<vmem>>, vector<16xf32>,
      tpu.vector_store %arg10[%swap3A_190, %swap3A_191], %unpack3A_188 {strides = array<i32>} : memref<128x128xf32, #tpu.memory_space<vmem>>, vector<16xf32>,
      %swap3A_193 = arith.index_cast %scan3A_95 : i32 to index
      %swap3A_194 = arith.constant 80 : index
      %swap3A_195 = tpu.vector_load %arg10[%swap3A_193, %swap3A_194] {strides = array<i32>} : memref<128x128xf32, #tpu.memory_space<vmem>>, vector<16xf32>,
      tpu.vector_store %arg10[%swap3A_193, %swap3A_194], %unpack3A_189 {strides = array<i32>} : memref<128x128xf32, #tpu.memory_space<vmem>>, vector<16xf32>,
      %get3A_196 = arith.index_cast %scan3A_95 : i32 to index
      %get3A_197 = arith.constant 96 : index
      %get3A_198 = tpu.vector_load %arg7[%get3A_196, %get3A_197] {strides = array<i32>} : memref<128x128xf32, #tpu.memory_space<vmem>>, vector<16xf32>,
      %get3A_199 = arith.index_cast %scan3A_95 : i32 to index
      %get3A_200 = arith.constant 112 : index
      %get3A_201 = tpu.vector_load %arg7[%get3A_199, %get3A_200] {strides = array<i32>} : memref<128x128xf32, #tpu.memory_space<vmem>>, vector<16xf32>,
      %pack3A_202 = tpu.pack_subelements %get3A_198, %get3A_201 {pack_format = #tpu.pack_format<interleaved>, positions = array<i32: 0, 1>} : vector<16xf32>, vector<16xf32> -> vector<32xbf16>
      %bitcast_convert_type3A_203 = tpu.bitcast %pack3A_202 : vector<32xbf16> -> vector<32xi16>
      %or3A_204 = arith.constant -32768 : i16
      %or3A_205 = vector.broadcast %or3A_204 : i16 to vector<32xi16>
      %or3A_206 = arith.ori %bitcast_convert_type3A_203, %or3A_205 : vector<32xi16>
      %bitcast_convert_type3A_207 = tpu.bitcast %or3A_206 : vector<32xi16> -> vector<32xbf16>
      %exp3A_208 = math.exp %bitcast_convert_type3A_207 : vector<32xbf16>
      %mul3A_209 = arith.constant 1.396480e-01 : bf16
      %mul3A_210 = vector.broadcast %mul3A_209 : bf16 to vector<32xbf16>
      %mul3A_211 = arith.mulf %mul3A_210, %exp3A_208 : vector<32xbf16>
      %add3A_212 = arith.constant -4.414060e-01 : bf16
      %add3A_213 = vector.broadcast %add3A_212 : bf16 to vector<32xbf16>
      %add3A_214 = arith.addf %mul3A_211, %add3A_213 : vector<32xbf16>
      %mul3A_215 = arith.mulf %add3A_214, %exp3A_208 : vector<32xbf16>
      %add3A_216 = arith.constant 9.960930e-01 : bf16
      %add3A_217 = vector.broadcast %add3A_216 : bf16 to vector<32xbf16>
      %add3A_218 = arith.addf %mul3A_215, %add3A_217 : vector<32xbf16>
      %max3A_219 = arith.constant 0.000000e+00 : bf16
      %max3A_220 = vector.broadcast %max3A_219 : bf16 to vector<32xbf16>
      %max3A_221 = arith.maximumf %pack3A_202, %max3A_220 : vector<32xbf16>
      %mul3A_222 = arith.mulf %exp3A_208, %add3A_218 : vector<32xbf16>
      %add3A_223 = arith.addf %max3A_221, %mul3A_222 : vector<32xbf16>
      %unpack3A_224 = tpu.unpack_subelements %add3A_223, 0 {pack_format = #tpu.pack_format<interleaved>} : vector<32xbf16> -> vector<16xf32>
      %unpack3A_225 = tpu.unpack_subelements %add3A_223, 1 {pack_format = #tpu.pack_format<interleaved>} : vector<32xbf16> -> vector<16xf32>
      %swap3A_226 = arith.index_cast %scan3A_95 : i32 to index
      %swap3A_227 = arith.constant 96 : index
      %swap3A_228 = tpu.vector_load %arg10[%swap3A_226, %swap3A_227] {strides = array<i32>} : memref<128x128xf32, #tpu.memory_space<vmem>>, vector<16xf32>,
      tpu.vector_store %arg10[%swap3A_226, %swap3A_227], %unpack3A_224 {strides = array<i32>} : memref<128x128xf32, #tpu.memory_space<vmem>>, vector<16xf32>,
      %swap3A_229 = arith.index_cast %scan3A_95 : i32 to index
      %swap3A_230 = arith.constant 112 : index
      %swap3A_231 = tpu.vector_load %arg10[%swap3A_229, %swap3A_230] {strides = array<i32>} : memref<128x128xf32, #tpu.memory_space<vmem>>, vector<16xf32>,
      tpu.vector_store %arg10[%swap3A_229, %swap3A_230], %unpack3A_225 {strides = array<i32>} : memref<128x128xf32, #tpu.memory_space<vmem>>, vector<16xf32>,
    }
    %scan3A_70 = arith.constant 128 : i32
    %add3A_71 = arith.constant 200704 : i32
    %add3A_72 = arith.addi %add3A_71, %mul3A_2 : i32
    %dma_start3A_73 = arith.constant 0 : i32
    %dma_start3A_74 = tpu.memref_slice %arg4[%add3A_72, %dma_start3A_73] : memref<204800x128xf32, #tpu.memory_space<hbm>> -> memref<128x128xf32, #tpu.memory_space<hbm>>
    %dma_start3A_75 = arith.constant 0 : i32
    %dma_start3A_76 = tpu.memref_slice %arg4[%add3A_72, %dma_start3A_75] : memref<204800x128xf32, #tpu.memory_space<hbm>> -> memref<128x128xf32, #tpu.memory_space<hbm>>
    tpu.enqueue_dma source(%arg10 : memref<128x128xf32, #tpu.memory_space<vmem>>) target(%dma_start3A_76 : memref<128x128xf32, #tpu.memory_space<hbm>>) target_semaphore(%arg16 : memref<!tpu.dma_semaphore, #tpu.memory_space<semaphore_mem>>)
    %add3A_77 = arith.constant 192512 : i32
    %add3A_78 = arith.addi %add3A_77, %mul3A_2 : i32
    %dma_wait3A_79 = arith.constant 0 : i32
    %dma_wait3A_80 = tpu.memref_slice %arg4[%add3A_78, %dma_wait3A_79] : memref<204800x128xf32, #tpu.memory_space<hbm>> -> memref<128x128xf32, #tpu.memory_space<hbm>>
    %dma_wait3A_81 = arith.constant 0 : i32
    %dma_wait3A_82 = tpu.memref_slice %arg4[%add3A_78, %dma_wait3A_81] : memref<204800x128xf32, #tpu.memory_space<hbm>> -> memref<128x128xf32, #tpu.memory_space<hbm>>
    tpu.wait_dma2 semaphore(%arg17 : memref<!tpu.dma_semaphore, #tpu.memory_space<semaphore_mem>>) src(%arg11 : memref<128x128xf32, #tpu.memory_space<vmem>>) dst(%dma_wait3A_82 : memref<128x128xf32, #tpu.memory_space<hbm>>)
    %add3A_83 = arith.constant 196608 : i32
    %add3A_84 = arith.addi %add3A_83, %mul3A_2 : i32
    %dma_wait3A_85 = arith.constant 0 : i32
    %dma_wait3A_86 = tpu.memref_slice %arg4[%add3A_84, %dma_wait3A_85] : memref<204800x128xf32, #tpu.memory_space<hbm>> -> memref<128x128xf32, #tpu.memory_space<hbm>>
    %dma_wait3A_87 = arith.constant 0 : i32
    %dma_wait3A_88 = tpu.memref_slice %arg4[%add3A_84, %dma_wait3A_87] : memref<204800x128xf32, #tpu.memory_space<hbm>> -> memref<128x128xf32, #tpu.memory_space<hbm>>
    tpu.wait_dma2 semaphore(%arg15 : memref<!tpu.dma_semaphore, #tpu.memory_space<semaphore_mem>>) src(%arg9 : memref<128x128xf32, #tpu.memory_space<vmem>>) dst(%dma_wait3A_88 : memref<128x128xf32, #tpu.memory_space<hbm>>)
    %add3A_89 = arith.constant 200704 : i32
    %add3A_90 = arith.addi %add3A_89, %mul3A_2 : i32
    %dma_wait3A_91 = arith.constant 0 : i32
    %dma_wait3A_92 = tpu.memref_slice %arg4[%add3A_90, %dma_wait3A_91] : memref<204800x128xf32, #tpu.memory_space<hbm>> -> memref<128x128xf32, #tpu.memory_space<hbm>>
    %dma_wait3A_93 = arith.constant 0 : i32
    %dma_wait3A_94 = tpu.memref_slice %arg4[%add3A_90, %dma_wait3A_93] : memref<204800x128xf32, #tpu.memory_space<hbm>> -> memref<128x128xf32, #tpu.memory_space<hbm>>
    tpu.wait_dma2 semaphore(%arg16 : memref<!tpu.dma_semaphore, #tpu.memory_space<semaphore_mem>>) src(%arg10 : memref<128x128xf32, #tpu.memory_space<vmem>>) dst(%dma_wait3A_94 : memref<128x128xf32, #tpu.memory_space<hbm>>)
    return
  }
}

</mosaic_0001>

<sc_bundles>
// kernel: kernel.3.cloned.1.call-start
scs
__scs_entry_jumppad:
0x0: {  	(pc) =	sbr.rel $0x88, $3  }
0x1: {  	(tag) =	ssettag $0x0;
	lr =	simm.s32 $0x1  }
0x2: {  	[smem:$0x3F9F] =	sst lr;
	_ =	strace $0xD0000000  }
0x3: {  	_ = 	snop  }
0x4: {  	_ = 	snop  }
0x5: {  	_ = 	snop  }
0x6: {  	_ = 	snop  }
0x7: {  	_ = 	snop  }
__scs_overlays_trampoline_lowered:
0x8: {  	[smem:$0x3FAE] =	sst s0  }
0x9: {  	[smem:$0x3FAF] =	sst s1  }
0xa: {  	[smem:$0x3FB0] =	sst s2  }
0xb: {  	[smem:$0x3FB1] =	sst s3  }
0xc: {  	[smem:$0x3FB2] =	sst s4  }
0xd: {  	[smem:$0x3FB3] =	sst s5  }
0xe: {  	[smem:$0x3FB4] =	sst s6  }
0xf: {  	[smem:$0x3FB5] =	sst s7  }
0x10: {  	[smem:$0x3FB6] =	sst s8  }
0x11: {  	[smem:$0x3FB7] =	sst s9;
	s0 =	simm.s32 @!p0 $0x0  }
0x12: {  	s1 =	sld [smem:$0x3F9D];
	s0 =	simm.s32 @p0 $0x1  }
0x13: {  	[smem:$0x3FB8] =	sst s0;
	s0 =	simm.s32 @!p1 $0x0  }
0x14: {  	s2 =	sld [smem:$0x3F9C];
	s0 =	simm.s32 @p1 $0x1  }
0x15: {  	[smem:$0x3FB9] =	sst s0;
	s0 =	simm.s32 @!p2 $0x0  }
0x16: {  	s3 =	sld [smem:$0x3FDB];
	s0 =	simm.s32 @p2 $0x1  }
0x17: {  	s4 =	simm.s32 $0x1BF5;
	[smem:$0x3FBB] =	sst s0  }
0x18: {  	s0 =	sld [smem:$0x3F9E];
	_ =	swait.ge [sflag:s4], $0x0  }
0x19: {  	s7 =	sld [smem:$0x3F9F]  }
0x1a: {  	s8 =	sadd.s32 $0xFFFFE003, lr  }
0x1b: {  	s9 =	sadd.s32 $0xFFFFFEF7, lr;
	s5 =	simm.s32 $0xFFFFFFFF;
	p2 =	slt.u32 s8, $0xFFFFF086  }
0x1c: {  	p1 =	slt.u32 s9, $0xF7A;
	s5 =	simm.s32 @!p2 $0x0  }
0x1d: {  	s5 =	simm.s32 @p1 $0x1;
	p0 =	seq.s32 s7, s2  }
0x1e: {  	s7 =	smul.u32 @!p0 $0xF7A, s2;
	p2 =	seq.s32 @!p0 s5, $0x0  }
0x1f: {  	s9 =	smul.u32 $0xF7A, s1;
	s8 =	simm.s32 @!p0 $0x1BF5;
	p2 =	por !p2, p0  }
0x20: {  	[sflag:s8] =	ssyncset.s32 @!p0 $0xFFFFF086;
	s6 =	sadd.s32 @!p0 s3, s7;
	s7 =	simm.s32 @!p0 $0x108  }
0x21: {  	s3 =	sadd.s32 s3, s9;
	s6 =	sadd.s32 @!p0 $0x88, s6;
	s7 =	simm.s32 @p2 $0x1082  }
0x22: {  	[simem:s7], [sflag:s8] =	dma.local @!p0 [hbm:s6], $0xF7A  }
0x23: {  	s9 =	sor.u32 $0xD0000000, s2;
	s6 =	simm.s32 $0x108;
	_ =	swait.ge @!p0 [sflag:s8], $0x0  }
0x24: {  	s3 =	sadd.s32 $0x88, s3;
	s6 =	simm.s32 @!p1 $0x1082;
	[sflag:s4] =	ssyncset.s32 $0xFFFFF086  }
0x25: {  	[simem:s6], [sflag:s4] =	dma.local [hbm:s3], $0xF7A  }
0x26: {  	[smem:$0x3F9F] =	sst s1;
	(tag) =	ssettag s2;
	_ =	strace s9  }
0x27: {  	s1 =	sld [smem:$0x3FAF]  }
0x28: {  	s2 =	sld [smem:$0x3FB0]  }
0x29: {  	s4 =	sld [smem:$0x3FB2]  }
0x2a: {  	p0 =	seq.s32 s5, $0x0;
	s5 =	sld [smem:$0x3FB3]  }
0x2b: {  	s6 =	sld [smem:$0x3FB4]  }
0x2c: {  	s7 =	sld [smem:$0x3FB5]  }
0x2d: {  	s3 =	simm.s32 $0x108;
	s8 =	sld [smem:$0x3FB6]  }
0x2e: {  	s3 =	simm.s32 @!p0 $0x1082;
	s9 =	sld [smem:$0x3FB7]  }
0x2f: {  	lr =	sadd.s32 s0, s3;
	s0 =	sld [smem:$0x3FAE]  }
0x30: {  	s3 =	sld [smem:$0x3FB1]  }
0x31: {  	[smem:$0x3FBA] =	sst s10  }
0x32: {  	s10 =	sld [smem:$0x3FB8];
	_ =	sdelay $0x3  }
0x33: {  	p0 =	seq.s32 s10, $0x1;
	s10 =	sld [smem:$0x3FBA];
	_ =	sdelay $0x3  }
0x34: {  	[smem:$0x3FBA] =	sst s10  }
0x35: {  	s10 =	sld [smem:$0x3FB9];
	_ =	sdelay $0x3  }
0x36: {  	p1 =	seq.s32 s10, $0x1;
	s10 =	sld [smem:$0x3FBA];
	_ =	sdelay $0x3  }
0x37: {  	[smem:$0x3FBA] =	sst s10  }
0x38: {  	s10 =	sld [smem:$0x3FBB]  }
0x39: {  	_ = 	snop;
	(pc) =	sbr.ind lr, $3  }
0x3a: {  	_ = 	snop  }
0x3b: {  	_ = 	snop  }
0x3c: {  	p2 =	seq.s32 s10, $0x1;
	s10 =	sld [smem:$0x3FBA]  }
0x3d: {  	_ =	shalt  }
0x3e: {  	_ =	shalt  }
0x3f: {  	_ =	shalt  }
0x40: {  	_ =	shalt  }
0x41: {  	_ =	shalt  }
0x42: {  	_ =	shalt  }
0x43: {  	_ =	shalt  }
0x44: {  	_ =	shalt  }
0x45: {  	_ =	shalt  }
0x46: {  	_ =	shalt  }
0x47: {  	_ =	shalt  }
0x48: {  	_ =	shalt  }
0x49: {  	_ =	shalt  }
0x4a: {  	_ =	shalt  }
0x4b: {  	_ =	shalt  }
0x4c: {  	_ =	shalt  }
0x4d: {  	_ =	shalt  }
0x4e: {  	_ =	shalt  }
0x4f: {  	_ =	shalt  }
0x50: {  	_ =	shalt  }
0x51: {  	_ =	shalt  }
0x52: {  	_ =	shalt  }
0x53: {  	_ =	shalt  }
0x54: {  	_ =	shalt  }
0x55: {  	_ =	shalt  }
0x56: {  	_ =	shalt  }
0x57: {  	_ =	shalt  }
0x58: {  	_ =	shalt  }
0x59: {  	_ =	shalt  }
0x5a: {  	_ =	shalt  }
0x5b: {  	_ =	shalt  }
0x5c: {  	_ =	shalt  }
0x5d: {  	_ =	shalt  }
0x5e: {  	_ =	shalt  }
0x5f: {  	_ =	shalt  }
0x60: {  	_ =	shalt  }
0x61: {  	_ =	shalt  }
0x62: {  	_ =	shalt  }
0x63: {  	_ =	shalt  }
0x64: {  	_ =	shalt  }
0x65: {  	_ =	shalt  }
0x66: {  	_ =	shalt  }
0x67: {  	_ =	shalt  }
0x68: {  	_ =	shalt  }
0x69: {  	_ =	shalt  }
0x6a: {  	_ =	shalt  }
0x6b: {  	_ =	shalt  }
0x6c: {  	_ =	shalt  }
0x6d: {  	_ =	shalt  }
0x6e: {  	_ =	shalt  }
0x6f: {  	_ =	shalt  }
0x70: {  	_ =	shalt  }
0x71: {  	_ =	shalt  }
0x72: {  	_ =	shalt  }
0x73: {  	_ =	shalt  }
0x74: {  	_ =	shalt  }
0x75: {  	_ =	shalt  }
0x76: {  	_ =	shalt  }
0x77: {  	_ =	shalt  }
0x78: {  	_ =	shalt  }
0x79: {  	_ =	shalt  }
0x7a: {  	_ =	shalt  }
0x7b: {  	_ =	shalt  }
0x7c: {  	_ =	shalt  }
0x7d: {  	_ =	shalt  }
0x7e: {  	_ =	shalt  }
0x7f: {  	_ =	shalt  }
0x80: {  	_ =	shalt  }
0x81: {  	_ =	shalt  }
0x82: {  	_ =	shalt  }
0x83: {  	_ =	shalt  }
0x84: {  	_ =	shalt  }
0x85: {  	_ =	shalt  }
0x86: {  	_ =	shalt  }
0x87: {  	_ =	shalt  }
.Lfunc_end0:
.L_simem_size_0:
called_computation_lowered:
.L_overlay_start_0:
0x88: {  	s2 =	sld [smem:$0x3FD9]  }
0x89: {  	s3 =	sld [smem:$0x3FFE];
	_ =	sdelay $0x1  }
0x8a: {  	s1 =	srdreg.scid  }
0x8b: {  	s0 =	sand.u32 $0x1, s1  }
0x8c: {  	s18 =	sshll.u32 s0, $0xA;
	s2 =	sadd.s32 s3, s2  }
0x8d: {  	s2 =	sadd.s32 s2, s18  }
0x8e: {  	[smem:$0x3FC6] =	sst s2  }
0x8f: {  	_ = 	snop  }
0x90: {  	s2 =	sld [smem:$0x3FC9]  }
0x91: {  	s19 =	sld [smem:$0x3FC8]  }
0x92: {  	s4 =	sld [smem:$0x3FD0];
	(tm) =	ssettm $0x1  }
0x93: {  	s5 =	sld [smem:$0x3FFB];
	_ =	sdelay $0x3  }
0x94: {  	_ =	strace s5  }
0x95: {  	s5 =	sld [smem:$0x3FFC];
	_ =	sdelay $0x3  }
0x96: {  	_ =	strace s5  }
0x97: {  	s5 =	sld [smem:$0x3FFD];
	_ =	sdelay $0x3  }
0x98: {  	_ =	strace s5  }
0x99: {  	_ =	strace $0x8FFFFFFF  }
0x9a: {  	s20 =	sld [smem:$0x3FDB];
	_ =	sdelay $0x1  }
0x9b: {  	s6 =	simm.s32 $_scs_section_size  }
0x9c: {  	s7 =	simm.s32 $_size__tile_overlayer_lowered;
	s8 =	simm.s32 $_tile_overlayer_lowered  }
0x9d: {  	s23 =	simm.s32 $0x1BFF;
	s22 =	sshll.u32 s8, $0x1;
	s5 =	sadd.s32 s6, s20  }
0x9e: {  	s9 =	simm.s32 $0x0;
	s21 =	sshll.u32 s7, $0x1;
	s7 =	sadd.s32 s22, s5  }
0x9f: {  	[timem:s9], [sflag:s23] =	dma.local [hbm:s7], s21  }
0xa0: {  	_ =	swait.ge [sflag:s23], s21  }
0xa1: {  	s6 =	ssub.s32 $0x0, s21;
	[sflag:s23] =	ssyncset.done $0x0  }
0xa2: {  	[sflag:s23] =	ssyncadd.s32 s6;
	_ =	sdelay $0x1  }
0xa3: {  	s24 =	simm.s32 $0x1B8B  }
0xa4: {  	_ =	swait.ge [sflag:s24], $0x1  }
0xa5: {  	[sflag:s24] =	ssyncset.done $0x0  }
0xa6: {  	s25 =	simm.s32 $0x1B8E;
	[sflag:s24] =	ssyncadd.s32 $0xFFFFFFFF  }
0xa7: {  	s26 =	simm.s32 $execute0_lowered;
	[smem:$0x3FD2] =	sst s25  }
0xa8: {  	s6 =	sshll.u32 s26, $0x1;
	_ =	strace $0x80000046;
	[dreg:$0x1] =	wrdreg $0xFFFFFFFF  }
0xa9: {  	s28 =	simm.s32 $_size_execute0_lowered;
	s5 =	sadd.s32 s5, s6;
	[dreg:$0x0] =	wrdreg $0x0  }
0xaa: {  	s6 =	sshll.u32 s28, $0x1;
	[dreg:$0x2] =	wrdreg s5  }
0xab: {  	[dreg:$0x3] =	wrdreg s6  }
0xac: {  	[dreg:$0x4] =	wrdreg $0xC0  }
0xad: {  	_ =	task [dreg:s9], $0x5FFFF  }
0xae: {  	[dreg:$0x1] =	wrdreg $0xFFFFFFFF  }
0xaf: {  	[dreg:$0x0] =	wrdreg $0x60  }
0xb0: {  	[dreg:$0x2] =	wrdreg s19  }
0xb1: {  	[dreg:$0x3] =	wrdreg s2  }
0xb2: {  	[dreg:$0x4] =	wrdreg s4  }
0xb3: {  	[dreg:$0x5] =	wrdreg $0x9  }
0xb4: {  	_ =	task.clear_ibuf [dreg:s9], $0x6FFFF;
	_ =	strace $0x90000046  }
0xb5: {  	s29 =	simm.s32 $0x9;
	_ =	strace $0x80000048  }
0xb6: {  	_ =	swait.ge [sflag:s29], $0x1  }
0xb7: {  	[sflag:s29] =	ssyncadd.s32 $0xFFFFFFFF  }
0xb8: {  	_ =	strace $0x90000048  }
0xb9: {  	_ =	sfence  }
0xba: {  	s30 =	sld [smem:$0x0];
	_ =	sdelay $0x2  }
0xbb: {  	s31 =	sshll.u32 s1, $0xD;
	s1 =	sshrl.u32 s1, $0x2  }
0xbc: {  	s3 =	sand.u32 $0x4000, s31;
	s1 =	sadd.s32 s1, s30  }
0xbd: {  	s0 =	sor.u32 s3, s0;
	s1 =	sshll.u32 s1, $0x11  }
0xbe: {  	s0 =	sor.u32 s1, s0  }
0xbf: {  	s0 =	sadd.s32 $0x8F2B, s0  }
0xc0: {  	[sflag:s0] =	ssyncadd.remote.s32 $0x1  }
0xc1: {  	_ =	sfence.sel $0xFFFF  }
0xc2: {  	[dreg:$0x0] =	wrdreg $0xFFFFFFFF;
	(pc) =	sbr.abs _section_cstart, $3  }
0xc3: {  	[dreg:$0x1] =	wrdreg $0xFFFFFFFF  }
0xc4: {  	_ =	task.clear_ibuf [dreg:s9], $0x2FFFF;
	_ =	strace $0x9FFFFFFF  }
0xc5: {  	(tm) =	ssettm $0x7FFFFFFF  }
tec
execute0_lowered:
.L_overlay_start_1:
0x0: {  	(tag) =	ssettag $0x1  }
0x1: {  	s1 =	rddreg [dreg:$0x0]  }
0x2: {  	s0 =	rddreg [dreg:$0x1]  }
0x3: {  	s3 =	rddreg [dreg:$0x2]  }
0x4: {  	s2 =	srdreg.scid;
	s4 =	simm.s32 $0x0;
	s5 =	stileid.u32  }
0x5: {  	s16 =	simm.s32 $0x7;
	s17 =	simm.s32 $0x80;
	s18 =	simm.s32 $0x1C00  }
0x6: {  	s19 =	simm.s32 $0x5C00;
	s21 =	simm.s32 $0x9C00;
	s22 =	simm.s32 $0x1  }
0x7: {  	s23 =	simm.s32 $0xDC00;
	s28 =	simm.s32 $0x15C00;
	s29 =	simm.s32 $0x4  }
0x8: {  	s30 =	simm.s32 $0x5;
	s31 =	simm.s32 $0x6;
	s2 =	sand.u32 $0x1, s2  }
0x9: {  	[smem:$0x7FF] =	sst s4;
	s5 =	sshll.u32 s5, $0x8;
	s6 =	sshll.u32 s2, $0x7  }
0xa: {  	_ =	strace $0x80000047;
	s2 =	ssub.s32 $0x2, s2;
	s5 =	sor.u32 s6, s5  }
0xb: {  	s7 =	sshrl.u32 s2, $0x1;
	s6 =	sadd.s32 s0, s5;
	s24 =	sshll.u32 s5, $0x4  }
0xc: {  	s2 =	ssub.s32 s2, s7;
	s8 =	sor.u32 $0x1000, s5;
	s9 =	sor.u32 $0x2000, s5  }
0xd: {  	s25 =	sadd.s32 $0x6000, s6;
	s0 =	sadd.s32 s24, s3;
	s12 =	smax.u32 s2, $0x1  }
0xe: {  	s24 =	simm.s32 $0x2;
	[dreg:$0x4] =	wrdreg s25;
	s26 =	sadd.s32 $0x300000, s0  }
0xf: {  	v0 =	vimm.bf16 $-1.4450e+00;
	v1 =	vimm.bf16 $1.3960e-01;
	s0 =	sadd.s32 $0x310000, s0;
	s25 =	simm.s32 $0x11C00;
	[dreg:$0x5] =	wrdreg s26  }
0x10: {  	v2 =	vimm.bf16 $-4.4140e-01;
	v3 =	vimm.bf16 $9.9610e-01;
	v4 =	vimm.bf16 $0.0e+00;
	[dreg:$0x6] =	wrdreg s0;
	s26 =	simm.s32 $0x3;
	s0 =	simm.s32 $0x0  }
.LBB2_1:
0x11: {  	s2 =	simm.s32 $0x400;
	s7 =	simm.s32 $0x8000  }
0x12: {  	[tilespmem:s4], [sflag:$0x7] =	stream.strided.gather [hbm4b:s6+s2], $0x1800, s7, s2, $0x38;
	[tilespmem:$0x19C00] =	vst v63  }
0x13: {  	s14 =	rddreg [dreg:$0x4];
	s15 =	simm.s32 $0x1800  }
0x14: {  	[tilespmem:s15], [sflag:$0x7] =	stream.linear.gather [hbm4b:s14+s4], $0x100, $0x38;
	[tilespmem:$0x19C00] =	vst v63  }
0x15: {  	_ =	swait.ge [sflag:s16], $0x1900  }
0x16: {  	[sflag:s16] =	ssyncset.done $0x0  }
0x17: {  	[sflag:s16] =	ssyncadd.s32 $0xFFFFE700  }
0x18: {  	[tilespmem:s18], [sflag:$0x1] =	stream.indirect.gather [hbm4b:s1+s17], $0x80, s4, s17, $0xb8;
	[tilespmem:$0x19C00] =	vst v63  }
0x19: {  	_ = 	snop  }
0x1a: {  	[tilespmem:s19], [sflag:$0x2] =	stream.indirect.gather [hbm4b:s1+s17], $0x80, s17, s17, $0xb8;
	[tilespmem:$0x19C00] =	vst v63  }
0x1b: {  	s20 =	simm.s32 $0x100;
	s2 =	simm.s32 $0x0  }
0x1c: {  	[tilespmem:s21], [sflag:$0x3] =	stream.indirect.gather [hbm4b:s1+s17], $0x80, s20, s17, $0xb8;
	[tilespmem:$0x19C00] =	vst v63  }
.LBB2_2:
0x1d: {  	_ =	swait.ge [sflag:s22], $0x4000  }
0x1e: {  	p0 =	seq.s32 s2, $0x0;
	[sflag:s22] =	ssyncset.done $0x0  }
0x1f: {  	s7 =	simm.s32 @!p0 $0x4;
	[sflag:s22] =	ssyncadd.s32 $0xFFFFC000  }
0x20: {  	_ =	swait.ge @!p0 [sflag:s7], $0x4000  }
0x21: {  	[sflag:s7] =	ssyncset.done @!p0 $0x0  }
0x22: {  	s15 =	simm.s32 $0x0;
	[sflag:s7] =	ssyncadd.s32 @!p0 $0xFFFFC000  }
0x23: {  	v5 =	vld [tilespmem:s15+$0x1C60]  }
0x24: {  	v6 =	vld [tilespmem:s15+$0x1C70];
	_ =	sdelay $0x4  }
0x25: {  	v7 =	vld [tilespmem:s15+$0x1C00];
	v5 =	vpack.i.f32.bf16 v6, v5  }
0x26: {  	v6 =	vld [tilespmem:s15+$0x1C10];
	v8 =	vand.u32 $0x7FFF7FFF, v5  }
0x27: {  	v9 =	vld [tilespmem:s15+$0x1C20];
	v8 =	vmul.bf16 v0, v8  }
0x28: {  	v10 =	vld [tilespmem:s15+$0x1C30]  }
0x29: {  	v11 =	vld [tilespmem:s15+$0x1C50];
	(erf) = vpow2.bf16 v8  }
0x2a: {  	v8 =	vld [tilespmem:s15+$0x1C40]  }
0x2b: {  	v6 =	vpack.i.f32.bf16 v6, v7  }
0x2c: {  	v7 =	vand.u32 $0x7FFF7FFF, v6  }
0x2d: {  	v9 =	vpack.i.f32.bf16 v10, v9;
	v7 =	vmul.bf16 v0, v7  }
0x2e: {  	v10 =	vand.u32 $0x7FFF7FFF, v9  }
0x2f: {  	v10 =	vmul.bf16 v0, v10;
	(erf) = vpow2.bf16 v7;
	v7 =	vpack.i.f32.bf16 v11, v8  }
0x30: {  	s13 =	simm.s32 $0x80;
	v8 =	vand.u32 $0x7FFF7FFF, v7  }
0x31: {  	v13 =	vld [tilespmem:s13+$0x1C00];
	(erf) = vpow2.bf16 v10;
	v8 =	vmul.bf16 v0, v8  }
0x32: {  	v10 =	vld [tilespmem:s13+$0x1C60]  }
0x33: {  	(erf) = vpow2.bf16 v8;
	v8 =	vld [tilespmem:s13+$0x1C70];
	v11 =	vpop (erf)  }
0x34: {  	v14 =	vld [tilespmem:s13+$0x1C10];
	v12 =	vmul.bf16 v1, v11  }
0x35: {  	v15 =	vld [tilespmem:s13+$0x1C20]  }
0x36: {  	v16 =	vld [tilespmem:s13+$0x1C30];
	v12 =	vadd.bf16 v2, v12;
	_ =	sdelay $0x1  }
0x37: {  	v10 =	vpack.i.f32.bf16 v8, v10;
	v12 =	vmul.bf16 v12, v11  }
0x38: {  	v13 =	vpack.i.f32.bf16 v14, v13;
	v17 =	vand.u32 $0x7FFF7FFF, v10  }
0x39: {  	v21 =	vand.u32 $0x7FFF7FFF, v13;
	v8 =	vpop (erf);
	v17 =	vmul.bf16 v0, v17;
	v12 =	vadd.bf16 v3, v12  }
0x3a: {  	v20 =	vld [tilespmem:s13+$0x1C40];
	v15 =	vpack.i.f32.bf16 v16, v15;
	v21 =	vmul.bf16 v0, v21;
	v18 =	vmul.bf16 v1, v8  }
0x3b: {  	v16 =	vand.u32 $0x7FFF7FFF, v15;
	v19 =	vpop (erf);
	(erf) = vpow2.bf16 v17;
	v11 =	vmul.bf16 v12, v11;
	v12 =	vld [tilespmem:s13+$0x1C50]  }
0x3c: {  	v5 =	vmax.bf16 v5, v4;
	v16 =	vmul.bf16 v0, v16;
	v14 =	vmul.bf16 v1, v19  }
0x3d: {  	v17 =	vpop (erf);
	(erf) = vpow2.bf16 v21;
	v5 =	vadd.bf16 v11, v5;
	v11 =	vadd.bf16 v2, v18  }
0x3e: {  	v9 =	vmax.bf16 v9, v4;
	v14 =	vadd.bf16 v2, v14;
	v18 =	vmul.bf16 v1, v17  }
0x3f: {  	(erf) = vpow2.bf16 v16;
	v21 =	vunpack.i.u.bf16.f32 v5;
	v11 =	vmul.bf16 v11, v8  }
0x40: {  	s14 =	simm.s32 $0x100;
	v14 =	vmul.bf16 v14, v19;
	v18 =	vadd.bf16 v2, v18;
	[tilespmem:s15+$0xDC70] =	vst v21;
	v12 =	vpack.i.f32.bf16 v12, v20  }
0x41: {  	v23 =	vmax.bf16 v7, v4;
	v20 =	vand.u32 $0x7FFF7FFF, v12;
	v11 =	vadd.bf16 v3, v11;
	v22 =	vld [tilespmem:s14+$0x1C00]  }
0x42: {  	v7 =	vadd.bf16 v3, v14;
	v18 =	vmul.bf16 v18, v17;
	v14 =	vld [tilespmem:s14+$0x1C10];
	v20 =	vmul.bf16 v0, v20  }
0x43: {  	v6 =	vmax.bf16 v6, v4;
	v5 =	vunpack.i.l.bf16.f32 v5;
	v16 =	vld [tilespmem:s14+$0x1C60];
	v11 =	vmul.bf16 v11, v8  }
0x44: {  	v21 =	vld [tilespmem:s14+$0x1C70];
	v19 =	vmul.bf16 v7, v19;
	v18 =	vadd.bf16 v3, v18;
	(erf) = vpow2.bf16 v20  }
0x45: {  	v7 =	vmax.bf16 v12, v4;
	v8 =	vmax.bf16 v13, v4;
	v13 =	vpop (erf);
	v11 =	vadd.bf16 v11, v6  }
0x46: {  	v20 =	vld [tilespmem:s14+$0x1C20];
	[tilespmem:s15+$0xDC60] =	vst v5;
	v6 =	vmax.bf16 v15, v4;
	v5 =	vmul.bf16 v18, v17;
	v15 =	vmul.bf16 v1, v13  }
0x47: {  	v17 =	vld [tilespmem:s14+$0x1C30];
	v18 =	vadd.bf16 v19, v9;
	v14 =	vpack.i.f32.bf16 v14, v22;
	v19 =	vunpack.i.l.bf16.f32 v11  }
0x48: {  	v12 =	vpop (erf);
	v9 =	vadd.bf16 v5, v23;
	v15 =	vadd.bf16 v2, v15;
	v23 =	vunpack.i.u.bf16.f32 v11  }
0x49: {  	v24 =	vld [tilespmem:s14+$0x1C40];
	v5 =	vpack.i.f32.bf16 v21, v16;
	v16 =	vmul.bf16 v1, v12;
	[tilespmem:s15+$0xDC00] =	vst v19;
	v19 =	vunpack.i.u.bf16.f32 v18  }
0x4a: {  	v25 =	vand.u32 $0x7FFF7FFF, v5;
	v18 =	vunpack.i.l.bf16.f32 v18;
	v15 =	vmul.bf16 v15, v13;
	v11 =	vpop (erf)  }
0x4b: {  	v21 =	vld [tilespmem:s14+$0x1C50];
	v22 =	vmul.bf16 v0, v25;
	v27 =	vadd.bf16 v2, v16;
	v63 =	vmul.bf16 v1, v11  }
0x4c: {  	v17 =	vpack.i.f32.bf16 v17, v20;
	v20 =	vand.u32 $0x7FFF7FFF, v14;
	v26 =	vadd.bf16 v3, v15  }
0x4d: {  	[tilespmem:s15+$0xDC10] =	vst v23;
	v16 =	vmul.bf16 v0, v20;
	(erf) = vpow2.bf16 v22;
	v20 =	vand.u32 $0x7FFF7FFF, v17  }
0x4e: {  	[tilespmem:s15+$0xDC20] =	vst v18;
	v18 =	vmul.bf16 v27, v12;
	v20 =	vmul.bf16 v0, v20;
	v23 =	vadd.bf16 v2, v63;
	v15 =	vpop (erf)  }
0x4f: {  	v10 =	vmax.bf16 v10, v4;
	v13 =	vmul.bf16 v26, v13;
	v22 =	vmul.bf16 v1, v15  }
0x50: {  	[tilespmem:s15+$0xDC30] =	vst v19;
	(erf) = vpow2.bf16 v16;
	v21 =	vpack.i.f32.bf16 v21, v24;
	v19 =	vmul.bf16 v23, v11  }
0x51: {  	v24 =	vand.u32 $0x7FFF7FFF, v21;
	v16 =	vadd.bf16 v13, v10;
	v22 =	vadd.bf16 v2, v22  }
0x52: {  	(erf) = vpow2.bf16 v20;
	v10 =	vmul.bf16 v0, v24  }
0x53: {  	v13 =	vmax.bf16 v14, v4;
	v20 =	vunpack.i.u.bf16.f32 v16;
	v22 =	vmul.bf16 v22, v15  }
0x54: {  	s7 =	simm.s32 $0x180;
	v14 =	vmax.bf16 v17, v4;
	[tilespmem:s13+$0xDC70] =	vst v20;
	(erf) = vpow2.bf16 v10;
	v20 =	vadd.bf16 v3, v18  }
0x55: {  	s10 =	simm.s32 $0x800;
	v19 =	vadd.bf16 v3, v19;
	v10 =	vmax.bf16 v21, v4;
	v17 =	vld [tilespmem:s7+$0x1C60];
	v18 =	vadd.bf16 v3, v22  }
.LBB2_3:
0x56: {  	p1 =	sne.s32 s10, $0xFE00;
	v21 =	vld [tilespmem:s7+$0x1C70];
	v12 =	vmul.bf16 v20, v12;
	v20 =	vunpack.i.u.bf16.f32 v9;
	v9 =	vunpack.i.l.bf16.f32 v9  }
0x57: {  	v16 =	vunpack.i.l.bf16.f32 v16;
	v22 =	vld [tilespmem:s7+$0x1C00];
	v23 =	vpop (erf);
	v11 =	vmul.bf16 v19, v11;
	v15 =	vmul.bf16 v18, v15;
	[tilespmem:s15+$0xDC40] =	vst v9  }
0x58: {  	v18 =	vld [tilespmem:s7+$0x1C10];
	v19 =	vmul.bf16 v1, v23;
	v24 =	vadd.bf16 v12, v8;
	[tilespmem:s15+$0xDC50] =	vst v20;
	v8 =	vmov v13;
	s15 =	smov.u32 s13;
	s13 =	smov.u32 s14;
	s14 =	smov.u32 s7  }
0x59: {  	v13 =	vld [tilespmem:s14+$0x1C20];
	v20 =	vadd.bf16 v11, v6;
	v9 =	vadd.bf16 v15, v7;
	[tilespmem:s15+$0xDC60] =	vst v16;
	v6 =	vmovc v14;
	v7 =	vmov v10  }
0x5a: {  	v10 =	vld [tilespmem:s14+$0x1C30];
	v26 =	vadd.bf16 v2, v19;
	v12 =	vpop (erf);
	v14 =	vunpack.i.u.bf16.f32 v24;
	v15 =	vunpack.i.l.bf16.f32 v24  }
0x5b: {  	v16 =	vld [tilespmem:s14+$0x1C40];
	v17 =	vpack.i.f32.bf16 v21, v17;
	v19 =	vmul.bf16 v1, v12;
	[tilespmem:s15+$0xDC00] =	vst v15;
	v21 =	vunpack.i.u.bf16.f32 v20  }
0x5c: {  	v24 =	vld [tilespmem:s14+$0x1C50];
	v27 =	vand.u32 $0x7FFF7FFF, v17;
	v25 =	vmul.bf16 v26, v23;
	v11 =	vpop (erf);
	[tilespmem:s15+$0xDC10] =	vst v14;
	v14 =	vunpack.i.l.bf16.f32 v20  }
0x5d: {  	v18 =	vpack.i.f32.bf16 v18, v22;
	v20 =	vmul.bf16 v0, v27;
	v22 =	vmul.bf16 v1, v11;
	[tilespmem:s15+$0xDC20] =	vst v14  }
0x5e: {  	v19 =	vadd.bf16 v2, v19;
	v14 =	vand.u32 $0x7FFF7FFF, v18;
	v25 =	vadd.bf16 v3, v25;
	v15 =	vpop (erf);
	[tilespmem:s15+$0xDC30] =	vst v21  }
0x5f: {  	v14 =	vmul.bf16 v0, v14;
	v10 =	vpack.i.f32.bf16 v10, v13;
	(erf) = vpow2.bf16 v20  }
0x60: {  	v20 =	vmul.bf16 v1, v15;
	v13 =	vand.u32 $0x7FFF7FFF, v10;
	v21 =	vmul.bf16 v25, v23  }
0x61: {  	v13 =	vmul.bf16 v0, v13;
	v23 =	vpack.i.f32.bf16 v24, v16;
	v16 =	vmax.bf16 v5, v4;
	v5 =	vmovc v17  }
0x62: {  	v17 =	vand.u32 $0x7FFF7FFF, v23;
	(erf) = vpow2.bf16 v14;
	v16 =	vadd.bf16 v21, v16  }
.Ltmp0:
0x63: {  	v20 =	vadd.bf16 v2, v20;
	v14 =	vadd.bf16 v2, v22;
	v17 =	vmul.bf16 v0, v17;
	(pc) =	sbr.rel @p1 .LBB2_3-.Ltmp0, $4  }
0x64: {  	v19 =	vmul.bf16 v19, v12;
	(erf) = vpow2.bf16 v13;
	v21 =	vunpack.i.u.bf16.f32 v16  }
0x65: {  	v22 =	vmul.bf16 v20, v15;
	v13 =	vmax.bf16 v18, v4;
	v18 =	vmul.bf16 v14, v11;
	[tilespmem:s13+$0xDC70] =	vst v21  }
0x66: {  	s7 =	sshra.s32 s10, $0x2;
	v20 =	vadd.bf16 v3, v19;
	v14 =	vmax.bf16 v10, v4;
	(erf) = vpow2.bf16 v17  }
0x67: {  	s10 =	sadd.s32 $0x200, s10;
	v10 =	vmax.bf16 v23, v4;
	v19 =	vadd.bf16 v3, v18;
	v18 =	vadd.bf16 v3, v22;
	v17 =	vld [tilespmem:s7+$0x1C60]  }
0x68: {  	v21 =	vld [tilespmem:s7+$0x1C70]  }
0x69: {  	v22 =	vunpack.i.l.bf16.f32 v9;
	v12 =	vmul.bf16 v20, v12  }
0x6a: {  	v23 =	vld [tilespmem:s7+$0x1C00];
	v9 =	vunpack.i.u.bf16.f32 v9;
	[tilespmem:s15+$0xDC40] =	vst v22  }
0x6b: {  	v22 =	vld [tilespmem:s7+$0x1C10];
	[tilespmem:s15+$0xDC50] =	vst v9;
	v9 =	vunpack.i.l.bf16.f32 v16;
	v8 =	vadd.bf16 v12, v8  }
0x6c: {  	v16 =	vld [tilespmem:s7+$0x1C20];
	[tilespmem:s13+$0xDC60] =	vst v9  }
0x6d: {  	v9 =	vld [tilespmem:s7+$0x1C30];
	v12 =	vunpack.i.l.bf16.f32 v8;
	v17 =	vpack.i.f32.bf16 v21, v17  }
0x6e: {  	v20 =	vld [tilespmem:s7+$0x1C40];
	[tilespmem:s13+$0xDC00] =	vst v12;
	v12 =	vand.u32 $0x7FFF7FFF, v17  }
0x6f: {  	v21 =	vld [tilespmem:s7+$0x1C50];
	v12 =	vmul.bf16 v0, v12  }
0x70: {  	v24 =	vpop (erf);
	v11 =	vmul.bf16 v19, v11;
	v22 =	vpack.i.f32.bf16 v22, v23  }
0x71: {  	v23 =	vmul.bf16 v1, v24;
	v25 =	vand.u32 $0x7FFF7FFF, v22;
	(erf) = vpow2.bf16 v12  }
0x72: {  	v12 =	vmul.bf16 v0, v25;
	v9 =	vpack.i.f32.bf16 v9, v16  }
0x73: {  	v15 =	vmul.bf16 v18, v15;
	v19 =	vpop (erf);
	v16 =	vadd.bf16 v2, v23;
	v18 =	vand.u32 $0x7FFF7FFF, v9  }
0x74: {  	v18 =	vmul.bf16 v0, v18;
	v20 =	vpack.i.f32.bf16 v21, v20;
	(erf) = vpow2.bf16 v12;
	v21 =	vpop (erf)  }
0x75: {  	v6 =	vadd.bf16 v11, v6;
	v12 =	vmul.bf16 v1, v19;
	v16 =	vmul.bf16 v16, v24;
	v11 =	vpop (erf)  }
0x76: {  	v23 =	vand.u32 $0x7FFF7FFF, v20;
	(erf) = vpow2.bf16 v18;
	v18 =	vmul.bf16 v1, v11  }
0x77: {  	v7 =	vadd.bf16 v15, v7;
	v15 =	vmul.bf16 v1, v21;
	v23 =	vmul.bf16 v0, v23  }
0x78: {  	v16 =	vadd.bf16 v3, v16;
	v18 =	vadd.bf16 v2, v18  }
0x79: {  	v12 =	vadd.bf16 v2, v12;
	v15 =	vadd.bf16 v2, v15;
	(erf) = vpow2.bf16 v23  }
0x7a: {  	v16 =	vmul.bf16 v16, v24;
	v18 =	vmul.bf16 v18, v11  }
0x7b: {  	v5 =	vmax.bf16 v5, v4;
	v12 =	vmul.bf16 v12, v19;
	v15 =	vmul.bf16 v15, v21;
	v60 =	vpop (erf)  }
0x7c: {  	v5 =	vadd.bf16 v16, v5;
	v18 =	vadd.bf16 v3, v18;
	v16 =	vmul.bf16 v1, v60  }
0x7d: {  	v8 =	vunpack.i.u.bf16.f32 v8;
	v12 =	vadd.bf16 v3, v12;
	v15 =	vadd.bf16 v3, v15  }
0x7e: {  	[tilespmem:s13+$0xDC10] =	vst v8;
	v23 =	vunpack.i.u.bf16.f32 v6;
	v6 =	vunpack.i.l.bf16.f32 v6;
	v16 =	vadd.bf16 v2, v16  }
0x7f: {  	[tilespmem:s13+$0xDC20] =	vst v6;
	v6 =	vunpack.i.u.bf16.f32 v7;
	v12 =	vmul.bf16 v12, v19;
	v15 =	vmul.bf16 v15, v21  }
0x80: {  	[tilespmem:s13+$0xDC30] =	vst v23;
	v8 =	vunpack.i.u.bf16.f32 v5;
	v11 =	vmul.bf16 v18, v11;
	v18 =	vpop (erf);
	v16 =	vmul.bf16 v16, v60  }
0x81: {  	v7 =	vunpack.i.l.bf16.f32 v7;
	[tilespmem:s14+$0xDC70] =	vst v8;
	v8 =	vadd.bf16 v12, v13;
	v19 =	vmul.bf16 v1, v18;
	v13 =	vpop (erf)  }
0x82: {  	[tilespmem:s13+$0xDC40] =	vst v7;
	v12 =	vadd.bf16 v15, v14;
	v7 =	vmul.bf16 v1, v13;
	v15 =	vadd.bf16 v3, v16  }
0x83: {  	v5 =	vunpack.i.l.bf16.f32 v5;
	[tilespmem:s13+$0xDC50] =	vst v6;
	v14 =	vadd.bf16 v2, v19  }
0x84: {  	[tilespmem:s14+$0xDC60] =	vst v5;
	v6 =	vunpack.i.u.bf16.f32 v8;
	v7 =	vadd.bf16 v2, v7;
	v16 =	vpop (erf);
	v5 =	vmul.bf16 v15, v60  }
0x85: {  	v14 =	vmul.bf16 v14, v18;
	v15 =	vmax.bf16 v17, v4;
	v19 =	vmul.bf16 v1, v16  }
0x86: {  	v8 =	vunpack.i.l.bf16.f32 v8;
	[tilespmem:s14+$0xDC10] =	vst v6;
	v6 =	vmul.bf16 v7, v13;
	v5 =	vadd.bf16 v5, v15  }
0x87: {  	[tilespmem:s14+$0xDC00] =	vst v8;
	v8 =	vunpack.i.l.bf16.f32 v12;
	v7 =	vadd.bf16 v3, v14;
	v17 =	vadd.bf16 v2, v19  }
0x88: {  	v10 =	vadd.bf16 v11, v10;
	v11 =	vunpack.i.u.bf16.f32 v12;
	[tilespmem:s14+$0xDC20] =	vst v8;
	v6 =	vadd.bf16 v3, v6  }
0x89: {  	[tilespmem:s14+$0xDC30] =	vst v11;
	v11 =	vunpack.i.u.bf16.f32 v5;
	v7 =	vmul.bf16 v7, v18;
	v8 =	vmul.bf16 v17, v16  }
0x8a: {  	v12 =	vmax.bf16 v22, v4;
	[tilespmem:s7+$0xDC70] =	vst v11;
	v11 =	vunpack.i.l.bf16.f32 v10;
	v10 =	vunpack.i.u.bf16.f32 v10  }
0x8b: {  	v6 =	vmul.bf16 v6, v13;
	[tilespmem:s14+$0xDC40] =	vst v11;
	v7 =	vadd.bf16 v7, v12;
	v8 =	vadd.bf16 v3, v8  }
0x8c: {  	v9 =	vmax.bf16 v9, v4;
	v5 =	vunpack.i.l.bf16.f32 v5;
	[tilespmem:s14+$0xDC50] =	vst v10  }
0x8d: {  	v6 =	vadd.bf16 v6, v9;
	[tilespmem:s7+$0xDC60] =	vst v5;
	v5 =	vunpack.i.l.bf16.f32 v7;
	v8 =	vmul.bf16 v8, v16  }
0x8e: {  	v9 =	vmax.bf16 v20, v4;
	v7 =	vunpack.i.u.bf16.f32 v7;
	[tilespmem:s7+$0xDC00] =	vst v5  }
0x8f: {  	s13 =	smul.u32 $0x3000, s2;
	[tilespmem:s7+$0xDC10] =	vst v7;
	v7 =	vunpack.i.l.bf16.f32 v6;
	v5 =	vadd.bf16 v8, v9  }
0x90: {  	v6 =	vunpack.i.u.bf16.f32 v6;
	[tilespmem:s7+$0xDC20] =	vst v7  }
0x91: {  	s10 =	sor.u32 s5, s13;
	[tilespmem:s7+$0xDC30] =	vst v6;
	v6 =	vunpack.i.l.bf16.f32 v5  }
0x92: {  	s10 =	sshll.u32 s10, $0x4;
	v5 =	vunpack.i.u.bf16.f32 v5;
	[tilespmem:s7+$0xDC40] =	vst v6  }
0x93: {  	s15 =	smul.u32 $0x600, s2;
	s14 =	sadd.s32 s3, s10;
	[tilespmem:s7+$0xDC50] =	vst v5  }
0x94: {  	[hbm4b:s14+s4] =	stream.linear.scatter [tilespmem:s23], [sflag:$0x4], $0x4000, $0x38;
	[tilespmem:$0x19C00] =	vst v63  }
0x95: {  	s14 =	sshra.s32 s15, $0x2  }
0x96: {  	s20 =	sadd.s32 $0x180, s14  }
0x97: {  	[tilespmem:s18], [sflag:$0x1] =	stream.indirect.gather [hbm4b:s1+s17], $0x80, s20, s17, $0xb8;
	[tilespmem:$0x19C00] =	vst v63  }
0x98: {  	_ =	swait.ge [sflag:s24], $0x4000  }
0x99: {  	[sflag:s24] =	ssyncset.done $0x0  }
0x9a: {  	s7 =	simm.s32 @!p0 $0x5;
	[sflag:s24] =	ssyncadd.s32 $0xFFFFC000  }
0x9b: {  	_ =	swait.ge @!p0 [sflag:s7], $0x4000  }
0x9c: {  	[sflag:s7] =	ssyncset.done @!p0 $0x0  }
0x9d: {  	[sflag:s7] =	ssyncadd.s32 @!p0 $0xFFFFC000;
	s7 =	simm.s32 $0x0  }
0x9e: {  	v5 =	vld [tilespmem:s7+$0x5C60]  }
0x9f: {  	v6 =	vld [tilespmem:s7+$0x5C70];
	_ =	sdelay $0x4  }
0xa0: {  	v7 =	vld [tilespmem:s7+$0x5C00];
	v5 =	vpack.i.f32.bf16 v6, v5  }
0xa1: {  	v6 =	vld [tilespmem:s7+$0x5C10];
	v8 =	vand.u32 $0x7FFF7FFF, v5  }
0xa2: {  	v9 =	vld [tilespmem:s7+$0x5C20];
	v8 =	vmul.bf16 v0, v8  }
0xa3: {  	v10 =	vld [tilespmem:s7+$0x5C30]  }
0xa4: {  	v11 =	vld [tilespmem:s7+$0x5C50];
	(erf) = vpow2.bf16 v8  }
0xa5: {  	v8 =	vld [tilespmem:s7+$0x5C40]  }
0xa6: {  	v6 =	vpack.i.f32.bf16 v6, v7  }
0xa7: {  	v7 =	vand.u32 $0x7FFF7FFF, v6  }
0xa8: {  	v9 =	vpack.i.f32.bf16 v10, v9;
	v7 =	vmul.bf16 v0, v7  }
0xa9: {  	v10 =	vand.u32 $0x7FFF7FFF, v9  }
0xaa: {  	v10 =	vmul.bf16 v0, v10;
	(erf) = vpow2.bf16 v7;
	v7 =	vpack.i.f32.bf16 v11, v8  }
0xab: {  	s15 =	simm.s32 $0x80;
	v8 =	vand.u32 $0x7FFF7FFF, v7  }
0xac: {  	v13 =	vld [tilespmem:s15+$0x5C00];
	(erf) = vpow2.bf16 v10;
	v8 =	vmul.bf16 v0, v8  }
0xad: {  	v10 =	vld [tilespmem:s15+$0x5C60]  }
0xae: {  	(erf) = vpow2.bf16 v8;
	v8 =	vld [tilespmem:s15+$0x5C70];
	v11 =	vpop (erf)  }
0xaf: {  	v14 =	vld [tilespmem:s15+$0x5C10];
	v12 =	vmul.bf16 v1, v11  }
0xb0: {  	v15 =	vld [tilespmem:s15+$0x5C20]  }
0xb1: {  	v16 =	vld [tilespmem:s15+$0x5C30];
	v12 =	vadd.bf16 v2, v12;
	_ =	sdelay $0x1  }
0xb2: {  	v10 =	vpack.i.f32.bf16 v8, v10;
	v12 =	vmul.bf16 v12, v11  }
0xb3: {  	v13 =	vpack.i.f32.bf16 v14, v13;
	v17 =	vand.u32 $0x7FFF7FFF, v10  }
0xb4: {  	v21 =	vand.u32 $0x7FFF7FFF, v13;
	v8 =	vpop (erf);
	v17 =	vmul.bf16 v0, v17;
	v12 =	vadd.bf16 v3, v12  }
0xb5: {  	v20 =	vld [tilespmem:s15+$0x5C40];
	v15 =	vpack.i.f32.bf16 v16, v15;
	v21 =	vmul.bf16 v0, v21;
	v18 =	vmul.bf16 v1, v8  }
0xb6: {  	v16 =	vand.u32 $0x7FFF7FFF, v15;
	v19 =	vpop (erf);
	(erf) = vpow2.bf16 v17;
	v11 =	vmul.bf16 v12, v11;
	v12 =	vld [tilespmem:s15+$0x5C50]  }
0xb7: {  	v5 =	vmax.bf16 v5, v4;
	v16 =	vmul.bf16 v0, v16;
	v14 =	vmul.bf16 v1, v19  }
0xb8: {  	v17 =	vpop (erf);
	(erf) = vpow2.bf16 v21;
	v5 =	vadd.bf16 v11, v5;
	v11 =	vadd.bf16 v2, v18  }
0xb9: {  	v9 =	vmax.bf16 v9, v4;
	v14 =	vadd.bf16 v2, v14;
	v18 =	vmul.bf16 v1, v17  }
0xba: {  	(erf) = vpow2.bf16 v16;
	v21 =	vunpack.i.u.bf16.f32 v5;
	v11 =	vmul.bf16 v11, v8  }
0xbb: {  	s20 =	simm.s32 $0x100;
	v14 =	vmul.bf16 v14, v19;
	v18 =	vadd.bf16 v2, v18;
	[tilespmem:s7+$0x11C70] =	vst v21;
	v12 =	vpack.i.f32.bf16 v12, v20  }
0xbc: {  	v23 =	vmax.bf16 v7, v4;
	v20 =	vand.u32 $0x7FFF7FFF, v12;
	v11 =	vadd.bf16 v3, v11;
	v22 =	vld [tilespmem:s20+$0x5C00]  }
0xbd: {  	v7 =	vadd.bf16 v3, v14;
	v18 =	vmul.bf16 v18, v17;
	v14 =	vld [tilespmem:s20+$0x5C10];
	v20 =	vmul.bf16 v0, v20  }
0xbe: {  	v6 =	vmax.bf16 v6, v4;
	v5 =	vunpack.i.l.bf16.f32 v5;
	v16 =	vld [tilespmem:s20+$0x5C60];
	v11 =	vmul.bf16 v11, v8  }
0xbf: {  	v21 =	vld [tilespmem:s20+$0x5C70];
	v19 =	vmul.bf16 v7, v19;
	v18 =	vadd.bf16 v3, v18;
	(erf) = vpow2.bf16 v20  }
0xc0: {  	v7 =	vmax.bf16 v12, v4;
	v8 =	vmax.bf16 v13, v4;
	v13 =	vpop (erf);
	v11 =	vadd.bf16 v11, v6  }
0xc1: {  	v20 =	vld [tilespmem:s20+$0x5C20];
	[tilespmem:s7+$0x11C60] =	vst v5;
	v6 =	vmax.bf16 v15, v4;
	v5 =	vmul.bf16 v18, v17;
	v15 =	vmul.bf16 v1, v13  }
0xc2: {  	v17 =	vld [tilespmem:s20+$0x5C30];
	v18 =	vadd.bf16 v19, v9;
	v14 =	vpack.i.f32.bf16 v14, v22;
	v19 =	vunpack.i.l.bf16.f32 v11  }
0xc3: {  	v12 =	vpop (erf);
	v9 =	vadd.bf16 v5, v23;
	v15 =	vadd.bf16 v2, v15;
	v23 =	vunpack.i.u.bf16.f32 v11  }
0xc4: {  	v61 =	vld [tilespmem:s20+$0x5C40];
	v5 =	vpack.i.f32.bf16 v21, v16;
	v16 =	vmul.bf16 v1, v12;
	[tilespmem:s7+$0x11C00] =	vst v19;
	v19 =	vunpack.i.u.bf16.f32 v18  }
0xc5: {  	v62 =	vand.u32 $0x7FFF7FFF, v5;
	v18 =	vunpack.i.l.bf16.f32 v18;
	v15 =	vmul.bf16 v15, v13;
	v11 =	vpop (erf)  }
0xc6: {  	v21 =	vld [tilespmem:s20+$0x5C50];
	v22 =	vmul.bf16 v0, v62;
	v27 =	vadd.bf16 v2, v16;
	v63 =	vmul.bf16 v1, v11  }
0xc7: {  	v17 =	vpack.i.f32.bf16 v17, v20;
	v20 =	vand.u32 $0x7FFF7FFF, v14;
	v26 =	vadd.bf16 v3, v15  }
0xc8: {  	[tilespmem:s7+$0x11C10] =	vst v23;
	v16 =	vmul.bf16 v0, v20;
	(erf) = vpow2.bf16 v22;
	v20 =	vand.u32 $0x7FFF7FFF, v17  }
0xc9: {  	[tilespmem:s7+$0x11C20] =	vst v18;
	v18 =	vmul.bf16 v27, v12;
	v20 =	vmul.bf16 v0, v20;
	v23 =	vadd.bf16 v2, v63;
	v15 =	vpop (erf)  }
0xca: {  	v10 =	vmax.bf16 v10, v4;
	v13 =	vmul.bf16 v26, v13;
	v22 =	vmul.bf16 v1, v15  }
0xcb: {  	[tilespmem:s7+$0x11C30] =	vst v19;
	(erf) = vpow2.bf16 v16;
	v21 =	vpack.i.f32.bf16 v21, v61;
	v19 =	vmul.bf16 v23, v11  }
0xcc: {  	v24 =	vand.u32 $0x7FFF7FFF, v21;
	v16 =	vadd.bf16 v13, v10;
	v22 =	vadd.bf16 v2, v22  }
0xcd: {  	(erf) = vpow2.bf16 v20;
	v10 =	vmul.bf16 v0, v24  }
0xce: {  	v13 =	vmax.bf16 v14, v4;
	v20 =	vunpack.i.u.bf16.f32 v16;
	v22 =	vmul.bf16 v22, v15  }
0xcf: {  	s10 =	simm.s32 $0x180;
	v14 =	vmax.bf16 v17, v4;
	[tilespmem:s15+$0x11C70] =	vst v20;
	(erf) = vpow2.bf16 v10;
	v20 =	vadd.bf16 v3, v18  }
0xd0: {  	s11 =	simm.s32 $0x800;
	v19 =	vadd.bf16 v3, v19;
	v10 =	vmax.bf16 v21, v4;
	v17 =	vld [tilespmem:s10+$0x5C60];
	v18 =	vadd.bf16 v3, v22  }
.LBB2_5:
0xd1: {  	p1 =	sne.s32 s11, $0xFE00;
	v21 =	vld [tilespmem:s10+$0x5C70];
	v12 =	vmul.bf16 v20, v12;
	v20 =	vunpack.i.u.bf16.f32 v9;
	v9 =	vunpack.i.l.bf16.f32 v9  }
0xd2: {  	v16 =	vunpack.i.l.bf16.f32 v16;
	v22 =	vld [tilespmem:s10+$0x5C00];
	v23 =	vpop (erf);
	v11 =	vmul.bf16 v19, v11;
	v15 =	vmul.bf16 v18, v15;
	[tilespmem:s7+$0x11C40] =	vst v9  }
0xd3: {  	v18 =	vld [tilespmem:s10+$0x5C10];
	v19 =	vmul.bf16 v1, v23;
	v24 =	vadd.bf16 v12, v8;
	[tilespmem:s7+$0x11C50] =	vst v20;
	v8 =	vmov v13;
	s7 =	smov.u32 s15;
	s15 =	smov.u32 s20;
	s20 =	smov.u32 s10  }
0xd4: {  	v13 =	vld [tilespmem:s20+$0x5C20];
	v20 =	vadd.bf16 v11, v6;
	v9 =	vadd.bf16 v15, v7;
	[tilespmem:s7+$0x11C60] =	vst v16;
	v6 =	vmovc v14;
	v7 =	vmov v10  }
0xd5: {  	v10 =	vld [tilespmem:s20+$0x5C30];
	v26 =	vadd.bf16 v2, v19;
	v12 =	vpop (erf);
	v14 =	vunpack.i.u.bf16.f32 v24;
	v15 =	vunpack.i.l.bf16.f32 v24  }
0xd6: {  	v16 =	vld [tilespmem:s20+$0x5C40];
	v17 =	vpack.i.f32.bf16 v21, v17;
	v19 =	vmul.bf16 v1, v12;
	[tilespmem:s7+$0x11C00] =	vst v15;
	v21 =	vunpack.i.u.bf16.f32 v20  }
0xd7: {  	v24 =	vld [tilespmem:s20+$0x5C50];
	v27 =	vand.u32 $0x7FFF7FFF, v17;
	v25 =	vmul.bf16 v26, v23;
	v11 =	vpop (erf);
	[tilespmem:s7+$0x11C10] =	vst v14;
	v14 =	vunpack.i.l.bf16.f32 v20  }
0xd8: {  	v18 =	vpack.i.f32.bf16 v18, v22;
	v20 =	vmul.bf16 v0, v27;
	v22 =	vmul.bf16 v1, v11;
	[tilespmem:s7+$0x11C20] =	vst v14  }
0xd9: {  	v19 =	vadd.bf16 v2, v19;
	v14 =	vand.u32 $0x7FFF7FFF, v18;
	v25 =	vadd.bf16 v3, v25;
	v15 =	vpop (erf);
	[tilespmem:s7+$0x11C30] =	vst v21  }
0xda: {  	v14 =	vmul.bf16 v0, v14;
	v10 =	vpack.i.f32.bf16 v10, v13;
	(erf) = vpow2.bf16 v20  }
0xdb: {  	v20 =	vmul.bf16 v1, v15;
	v13 =	vand.u32 $0x7FFF7FFF, v10;
	v21 =	vmul.bf16 v25, v23  }
0xdc: {  	v13 =	vmul.bf16 v0, v13;
	v23 =	vpack.i.f32.bf16 v24, v16;
	v16 =	vmax.bf16 v5, v4;
	v5 =	vmovc v17  }
0xdd: {  	v17 =	vand.u32 $0x7FFF7FFF, v23;
	(erf) = vpow2.bf16 v14;
	v16 =	vadd.bf16 v21, v16  }
.Ltmp1:
0xde: {  	v20 =	vadd.bf16 v2, v20;
	v14 =	vadd.bf16 v2, v22;
	v17 =	vmul.bf16 v0, v17;
	(pc) =	sbr.rel @p1 .LBB2_5-.Ltmp1, $4  }
0xdf: {  	v19 =	vmul.bf16 v19, v12;
	(erf) = vpow2.bf16 v13;
	v21 =	vunpack.i.u.bf16.f32 v16  }
0xe0: {  	v22 =	vmul.bf16 v20, v15;
	v13 =	vmax.bf16 v18, v4;
	v18 =	vmul.bf16 v14, v11;
	[tilespmem:s15+$0x11C70] =	vst v21  }
0xe1: {  	s10 =	sshra.s32 s11, $0x2;
	v20 =	vadd.bf16 v3, v19;
	v14 =	vmax.bf16 v10, v4;
	(erf) = vpow2.bf16 v17  }
0xe2: {  	s11 =	sadd.s32 $0x200, s11;
	v10 =	vmax.bf16 v23, v4;
	v19 =	vadd.bf16 v3, v18;
	v18 =	vadd.bf16 v3, v22;
	v17 =	vld [tilespmem:s10+$0x5C60]  }
0xe3: {  	v21 =	vld [tilespmem:s10+$0x5C70]  }
0xe4: {  	v22 =	vunpack.i.l.bf16.f32 v9;
	v12 =	vmul.bf16 v20, v12  }
0xe5: {  	v23 =	vld [tilespmem:s10+$0x5C00];
	v9 =	vunpack.i.u.bf16.f32 v9;
	[tilespmem:s7+$0x11C40] =	vst v22  }
0xe6: {  	v22 =	vld [tilespmem:s10+$0x5C10];
	[tilespmem:s7+$0x11C50] =	vst v9;
	v9 =	vunpack.i.l.bf16.f32 v16;
	v8 =	vadd.bf16 v12, v8  }
0xe7: {  	v16 =	vld [tilespmem:s10+$0x5C20];
	[tilespmem:s15+$0x11C60] =	vst v9  }
0xe8: {  	v9 =	vld [tilespmem:s10+$0x5C30];
	v12 =	vunpack.i.l.bf16.f32 v8;
	v17 =	vpack.i.f32.bf16 v21, v17  }
0xe9: {  	v20 =	vld [tilespmem:s10+$0x5C40];
	[tilespmem:s15+$0x11C00] =	vst v12;
	v12 =	vand.u32 $0x7FFF7FFF, v17  }
0xea: {  	v21 =	vld [tilespmem:s10+$0x5C50];
	v12 =	vmul.bf16 v0, v12  }
0xeb: {  	v24 =	vpop (erf);
	v11 =	vmul.bf16 v19, v11;
	v22 =	vpack.i.f32.bf16 v22, v23  }
0xec: {  	v23 =	vmul.bf16 v1, v24;
	v25 =	vand.u32 $0x7FFF7FFF, v22;
	(erf) = vpow2.bf16 v12  }
0xed: {  	v12 =	vmul.bf16 v0, v25;
	v9 =	vpack.i.f32.bf16 v9, v16  }
0xee: {  	v15 =	vmul.bf16 v18, v15;
	v19 =	vpop (erf);
	v16 =	vadd.bf16 v2, v23;
	v18 =	vand.u32 $0x7FFF7FFF, v9  }
0xef: {  	v18 =	vmul.bf16 v0, v18;
	v20 =	vpack.i.f32.bf16 v21, v20;
	(erf) = vpow2.bf16 v12;
	v21 =	vpop (erf)  }
0xf0: {  	v6 =	vadd.bf16 v11, v6;
	v12 =	vmul.bf16 v1, v19;
	v16 =	vmul.bf16 v16, v24;
	v11 =	vpop (erf)  }
0xf1: {  	v23 =	vand.u32 $0x7FFF7FFF, v20;
	(erf) = vpow2.bf16 v18;
	v18 =	vmul.bf16 v1, v11  }
0xf2: {  	v7 =	vadd.bf16 v15, v7;
	v15 =	vmul.bf16 v1, v21;
	v23 =	vmul.bf16 v0, v23  }
0xf3: {  	v16 =	vadd.bf16 v3, v16;
	v18 =	vadd.bf16 v2, v18  }
0xf4: {  	v12 =	vadd.bf16 v2, v12;
	v15 =	vadd.bf16 v2, v15;
	(erf) = vpow2.bf16 v23  }
0xf5: {  	v16 =	vmul.bf16 v16, v24;
	v18 =	vmul.bf16 v18, v11  }
0xf6: {  	v5 =	vmax.bf16 v5, v4;
	v12 =	vmul.bf16 v12, v19;
	v15 =	vmul.bf16 v15, v21;
	v60 =	vpop (erf)  }
0xf7: {  	v5 =	vadd.bf16 v16, v5;
	v18 =	vadd.bf16 v3, v18;
	v16 =	vmul.bf16 v1, v60  }
0xf8: {  	v8 =	vunpack.i.u.bf16.f32 v8;
	v12 =	vadd.bf16 v3, v12;
	v15 =	vadd.bf16 v3, v15  }
0xf9: {  	[tilespmem:s15+$0x11C10] =	vst v8;
	v23 =	vunpack.i.u.bf16.f32 v6;
	v6 =	vunpack.i.l.bf16.f32 v6;
	v16 =	vadd.bf16 v2, v16  }
0xfa: {  	[tilespmem:s15+$0x11C20] =	vst v6;
	v6 =	vunpack.i.u.bf16.f32 v7;
	v12 =	vmul.bf16 v12, v19;
	v15 =	vmul.bf16 v15, v21  }
0xfb: {  	[tilespmem:s15+$0x11C30] =	vst v23;
	v8 =	vunpack.i.u.bf16.f32 v5;
	v11 =	vmul.bf16 v18, v11;
	v18 =	vpop (erf);
	v16 =	vmul.bf16 v16, v60  }
0xfc: {  	v7 =	vunpack.i.l.bf16.f32 v7;
	[tilespmem:s20+$0x11C70] =	vst v8;
	v8 =	vadd.bf16 v12, v13;
	v19 =	vmul.bf16 v1, v18;
	v13 =	vpop (erf)  }
0xfd: {  	[tilespmem:s15+$0x11C40] =	vst v7;
	v12 =	vadd.bf16 v15, v14;
	v7 =	vmul.bf16 v1, v13;
	v15 =	vadd.bf16 v3, v16  }
0xfe: {  	v5 =	vunpack.i.l.bf16.f32 v5;
	[tilespmem:s15+$0x11C50] =	vst v6;
	v14 =	vadd.bf16 v2, v19  }
0xff: {  	[tilespmem:s20+$0x11C60] =	vst v5;
	v6 =	vunpack.i.u.bf16.f32 v8;
	v7 =	vadd.bf16 v2, v7;
	v16 =	vpop (erf);
	v5 =	vmul.bf16 v15, v60  }
0x100: {  	v14 =	vmul.bf16 v14, v18;
	v15 =	vmax.bf16 v17, v4;
	v19 =	vmul.bf16 v1, v16  }
0x101: {  	v8 =	vunpack.i.l.bf16.f32 v8;
	[tilespmem:s20+$0x11C10] =	vst v6;
	v6 =	vmul.bf16 v7, v13;
	v5 =	vadd.bf16 v5, v15  }
0x102: {  	[tilespmem:s20+$0x11C00] =	vst v8;
	v8 =	vunpack.i.l.bf16.f32 v12;
	v7 =	vadd.bf16 v3, v14;
	v17 =	vadd.bf16 v2, v19  }
0x103: {  	v10 =	vadd.bf16 v11, v10;
	v11 =	vunpack.i.u.bf16.f32 v12;
	[tilespmem:s20+$0x11C20] =	vst v8;
	v6 =	vadd.bf16 v3, v6  }
0x104: {  	[tilespmem:s20+$0x11C30] =	vst v11;
	v11 =	vunpack.i.u.bf16.f32 v5;
	v7 =	vmul.bf16 v7, v18;
	v8 =	vmul.bf16 v17, v16  }
0x105: {  	v12 =	vmax.bf16 v22, v4;
	[tilespmem:s10+$0x11C70] =	vst v11;
	v11 =	vunpack.i.l.bf16.f32 v10;
	v10 =	vunpack.i.u.bf16.f32 v10  }
0x106: {  	v6 =	vmul.bf16 v6, v13;
	[tilespmem:s20+$0x11C40] =	vst v11;
	v7 =	vadd.bf16 v7, v12;
	v8 =	vadd.bf16 v3, v8  }
0x107: {  	v9 =	vmax.bf16 v9, v4;
	v5 =	vunpack.i.l.bf16.f32 v5;
	[tilespmem:s20+$0x11C50] =	vst v10  }
0x108: {  	v6 =	vadd.bf16 v6, v9;
	[tilespmem:s10+$0x11C60] =	vst v5;
	v5 =	vunpack.i.l.bf16.f32 v7;
	v8 =	vmul.bf16 v8, v16  }
0x109: {  	v9 =	vmax.bf16 v20, v4;
	v7 =	vunpack.i.u.bf16.f32 v7;
	[tilespmem:s10+$0x11C00] =	vst v5  }
0x10a: {  	[tilespmem:s10+$0x11C10] =	vst v7;
	v7 =	vunpack.i.l.bf16.f32 v6;
	v5 =	vadd.bf16 v8, v9  }
0x10b: {  	v6 =	vunpack.i.u.bf16.f32 v6;
	[tilespmem:s10+$0x11C20] =	vst v7  }
0x10c: {  	s15 =	sadd.s32 s8, s13;
	[tilespmem:s10+$0x11C30] =	vst v6;
	v6 =	vunpack.i.l.bf16.f32 v5  }
0x10d: {  	s7 =	sshll.u32 s15, $0x4;
	v5 =	vunpack.i.u.bf16.f32 v5;
	[tilespmem:s10+$0x11C40] =	vst v6  }
0x10e: {  	s7 =	sadd.s32 s3, s7;
	[tilespmem:s10+$0x11C50] =	vst v5  }
0x10f: {  	[hbm4b:s7+s4] =	stream.linear.scatter [tilespmem:s25], [sflag:$0x5], $0x4000, $0x38;
	[tilespmem:$0x19C00] =	vst v63  }
0x110: {  	s20 =	sadd.s32 $0x200, s14  }
0x111: {  	[tilespmem:s19], [sflag:$0x2] =	stream.indirect.gather [hbm4b:s1+s17], $0x80, s20, s17, $0xb8;
	[tilespmem:$0x19C00] =	vst v63  }
0x112: {  	_ =	swait.ge [sflag:s26], $0x4000  }
0x113: {  	[sflag:s26] =	ssyncset.done $0x0  }
0x114: {  	s7 =	simm.s32 @!p0 $0x6;
	[sflag:s26] =	ssyncadd.s32 $0xFFFFC000  }
0x115: {  	_ =	swait.ge @!p0 [sflag:s7], $0x4000  }
0x116: {  	[sflag:s7] =	ssyncset.done @!p0 $0x0  }
0x117: {  	[sflag:s7] =	ssyncadd.s32 @!p0 $0xFFFFC000;
	s7 =	simm.s32 $0x0  }
0x118: {  	v5 =	vld [tilespmem:s7+$0x9C60]  }
0x119: {  	v6 =	vld [tilespmem:s7+$0x9C70];
	_ =	sdelay $0x4  }
0x11a: {  	v7 =	vld [tilespmem:s7+$0x9C00];
	v5 =	vpack.i.f32.bf16 v6, v5  }
0x11b: {  	v6 =	vld [tilespmem:s7+$0x9C10];
	v8 =	vand.u32 $0x7FFF7FFF, v5  }
0x11c: {  	v9 =	vld [tilespmem:s7+$0x9C20];
	v8 =	vmul.bf16 v0, v8  }
0x11d: {  	v10 =	vld [tilespmem:s7+$0x9C30]  }
0x11e: {  	v11 =	vld [tilespmem:s7+$0x9C50];
	(erf) = vpow2.bf16 v8  }
0x11f: {  	v8 =	vld [tilespmem:s7+$0x9C40]  }
0x120: {  	v6 =	vpack.i.f32.bf16 v6, v7  }
0x121: {  	v7 =	vand.u32 $0x7FFF7FFF, v6  }
0x122: {  	v9 =	vpack.i.f32.bf16 v10, v9;
	v7 =	vmul.bf16 v0, v7  }
0x123: {  	v10 =	vand.u32 $0x7FFF7FFF, v9  }
0x124: {  	v10 =	vmul.bf16 v0, v10;
	(erf) = vpow2.bf16 v7;
	v7 =	vpack.i.f32.bf16 v11, v8  }
0x125: {  	s15 =	simm.s32 $0x80;
	v8 =	vand.u32 $0x7FFF7FFF, v7  }
0x126: {  	v13 =	vld [tilespmem:s15+$0x9C00];
	(erf) = vpow2.bf16 v10;
	v8 =	vmul.bf16 v0, v8  }
0x127: {  	v10 =	vld [tilespmem:s15+$0x9C60]  }
0x128: {  	(erf) = vpow2.bf16 v8;
	v8 =	vld [tilespmem:s15+$0x9C70];
	v11 =	vpop (erf)  }
0x129: {  	v14 =	vld [tilespmem:s15+$0x9C10];
	v12 =	vmul.bf16 v1, v11  }
0x12a: {  	v15 =	vld [tilespmem:s15+$0x9C20]  }
0x12b: {  	v16 =	vld [tilespmem:s15+$0x9C30];
	v12 =	vadd.bf16 v2, v12;
	_ =	sdelay $0x1  }
0x12c: {  	v10 =	vpack.i.f32.bf16 v8, v10;
	v12 =	vmul.bf16 v12, v11  }
0x12d: {  	v13 =	vpack.i.f32.bf16 v14, v13;
	v17 =	vand.u32 $0x7FFF7FFF, v10  }
0x12e: {  	v21 =	vand.u32 $0x7FFF7FFF, v13;
	v8 =	vpop (erf);
	v17 =	vmul.bf16 v0, v17;
	v12 =	vadd.bf16 v3, v12  }
0x12f: {  	v20 =	vld [tilespmem:s15+$0x9C40];
	v15 =	vpack.i.f32.bf16 v16, v15;
	v21 =	vmul.bf16 v0, v21;
	v18 =	vmul.bf16 v1, v8  }
0x130: {  	v16 =	vand.u32 $0x7FFF7FFF, v15;
	v19 =	vpop (erf);
	(erf) = vpow2.bf16 v17;
	v11 =	vmul.bf16 v12, v11;
	v12 =	vld [tilespmem:s15+$0x9C50]  }
0x131: {  	v5 =	vmax.bf16 v5, v4;
	v16 =	vmul.bf16 v0, v16;
	v14 =	vmul.bf16 v1, v19  }
0x132: {  	v17 =	vpop (erf);
	(erf) = vpow2.bf16 v21;
	v5 =	vadd.bf16 v11, v5;
	v11 =	vadd.bf16 v2, v18  }
0x133: {  	v9 =	vmax.bf16 v9, v4;
	v14 =	vadd.bf16 v2, v14;
	v18 =	vmul.bf16 v1, v17  }
0x134: {  	(erf) = vpow2.bf16 v16;
	v21 =	vunpack.i.u.bf16.f32 v5;
	v11 =	vmul.bf16 v11, v8  }
0x135: {  	s20 =	simm.s32 $0x100;
	v14 =	vmul.bf16 v14, v19;
	v18 =	vadd.bf16 v2, v18;
	[tilespmem:s7+$0x15C70] =	vst v21;
	v12 =	vpack.i.f32.bf16 v12, v20  }
0x136: {  	v23 =	vmax.bf16 v7, v4;
	v20 =	vand.u32 $0x7FFF7FFF, v12;
	v11 =	vadd.bf16 v3, v11;
	v22 =	vld [tilespmem:s20+$0x9C00]  }
0x137: {  	v7 =	vadd.bf16 v3, v14;
	v18 =	vmul.bf16 v18, v17;
	v14 =	vld [tilespmem:s20+$0x9C10];
	v20 =	vmul.bf16 v0, v20  }
0x138: {  	v6 =	vmax.bf16 v6, v4;
	v5 =	vunpack.i.l.bf16.f32 v5;
	v16 =	vld [tilespmem:s20+$0x9C60];
	v11 =	vmul.bf16 v11, v8  }
0x139: {  	v21 =	vld [tilespmem:s20+$0x9C70];
	v19 =	vmul.bf16 v7, v19;
	v18 =	vadd.bf16 v3, v18;
	(erf) = vpow2.bf16 v20  }
0x13a: {  	v7 =	vmax.bf16 v12, v4;
	v8 =	vmax.bf16 v13, v4;
	v13 =	vpop (erf);
	v11 =	vadd.bf16 v11, v6  }
0x13b: {  	v20 =	vld [tilespmem:s20+$0x9C20];
	[tilespmem:s7+$0x15C60] =	vst v5;
	v6 =	vmax.bf16 v15, v4;
	v5 =	vmul.bf16 v18, v17;
	v15 =	vmul.bf16 v1, v13  }
0x13c: {  	v17 =	vld [tilespmem:s20+$0x9C30];
	v18 =	vadd.bf16 v19, v9;
	v14 =	vpack.i.f32.bf16 v14, v22;
	v19 =	vunpack.i.l.bf16.f32 v11  }
0x13d: {  	v12 =	vpop (erf);
	v9 =	vadd.bf16 v5, v23;
	v15 =	vadd.bf16 v2, v15;
	v23 =	vunpack.i.u.bf16.f32 v11  }
0x13e: {  	v61 =	vld [tilespmem:s20+$0x9C40];
	v5 =	vpack.i.f32.bf16 v21, v16;
	v16 =	vmul.bf16 v1, v12;
	[tilespmem:s7+$0x15C00] =	vst v19;
	v19 =	vunpack.i.u.bf16.f32 v18  }
0x13f: {  	v62 =	vand.u32 $0x7FFF7FFF, v5;
	v18 =	vunpack.i.l.bf16.f32 v18;
	v15 =	vmul.bf16 v15, v13;
	v11 =	vpop (erf)  }
0x140: {  	v21 =	vld [tilespmem:s20+$0x9C50];
	v22 =	vmul.bf16 v0, v62;
	v27 =	vadd.bf16 v2, v16;
	v63 =	vmul.bf16 v1, v11  }
0x141: {  	v17 =	vpack.i.f32.bf16 v17, v20;
	v20 =	vand.u32 $0x7FFF7FFF, v14;
	v26 =	vadd.bf16 v3, v15  }
0x142: {  	[tilespmem:s7+$0x15C10] =	vst v23;
	v16 =	vmul.bf16 v0, v20;
	(erf) = vpow2.bf16 v22;
	v20 =	vand.u32 $0x7FFF7FFF, v17  }
0x143: {  	[tilespmem:s7+$0x15C20] =	vst v18;
	v18 =	vmul.bf16 v27, v12;
	v20 =	vmul.bf16 v0, v20;
	v23 =	vadd.bf16 v2, v63;
	v15 =	vpop (erf)  }
0x144: {  	v10 =	vmax.bf16 v10, v4;
	v13 =	vmul.bf16 v26, v13;
	v22 =	vmul.bf16 v1, v15  }
0x145: {  	[tilespmem:s7+$0x15C30] =	vst v19;
	(erf) = vpow2.bf16 v16;
	v21 =	vpack.i.f32.bf16 v21, v61;
	v19 =	vmul.bf16 v23, v11  }
0x146: {  	v24 =	vand.u32 $0x7FFF7FFF, v21;
	v16 =	vadd.bf16 v13, v10;
	v22 =	vadd.bf16 v2, v22  }
0x147: {  	(erf) = vpow2.bf16 v20;
	v10 =	vmul.bf16 v0, v24  }
0x148: {  	v13 =	vmax.bf16 v14, v4;
	v20 =	vunpack.i.u.bf16.f32 v16;
	v22 =	vmul.bf16 v22, v15  }
0x149: {  	s10 =	simm.s32 $0x180;
	v14 =	vmax.bf16 v17, v4;
	[tilespmem:s15+$0x15C70] =	vst v20;
	(erf) = vpow2.bf16 v10;
	v20 =	vadd.bf16 v3, v18  }
0x14a: {  	s11 =	simm.s32 $0x800;
	v19 =	vadd.bf16 v3, v19;
	v10 =	vmax.bf16 v21, v4;
	v17 =	vld [tilespmem:s10+$0x9C60];
	v18 =	vadd.bf16 v3, v22  }
.LBB2_7:
0x14b: {  	p0 =	sne.s32 s11, $0xFE00;
	v21 =	vld [tilespmem:s10+$0x9C70];
	v12 =	vmul.bf16 v20, v12;
	v20 =	vunpack.i.u.bf16.f32 v9;
	v9 =	vunpack.i.l.bf16.f32 v9  }
0x14c: {  	v16 =	vunpack.i.l.bf16.f32 v16;
	v22 =	vld [tilespmem:s10+$0x9C00];
	v23 =	vpop (erf);
	v11 =	vmul.bf16 v19, v11;
	v15 =	vmul.bf16 v18, v15;
	[tilespmem:s7+$0x15C40] =	vst v9  }
0x14d: {  	v18 =	vld [tilespmem:s10+$0x9C10];
	v19 =	vmul.bf16 v1, v23;
	v24 =	vadd.bf16 v12, v8;
	[tilespmem:s7+$0x15C50] =	vst v20;
	v8 =	vmov v13;
	s7 =	smov.u32 s15;
	s15 =	smov.u32 s20;
	s20 =	smov.u32 s10  }
0x14e: {  	v13 =	vld [tilespmem:s20+$0x9C20];
	v20 =	vadd.bf16 v11, v6;
	v9 =	vadd.bf16 v15, v7;
	[tilespmem:s7+$0x15C60] =	vst v16;
	v6 =	vmovc v14;
	v7 =	vmov v10  }
0x14f: {  	v10 =	vld [tilespmem:s20+$0x9C30];
	v26 =	vadd.bf16 v2, v19;
	v12 =	vpop (erf);
	v14 =	vunpack.i.u.bf16.f32 v24;
	v15 =	vunpack.i.l.bf16.f32 v24  }
0x150: {  	v16 =	vld [tilespmem:s20+$0x9C40];
	v17 =	vpack.i.f32.bf16 v21, v17;
	v19 =	vmul.bf16 v1, v12;
	[tilespmem:s7+$0x15C00] =	vst v15;
	v21 =	vunpack.i.u.bf16.f32 v20  }
0x151: {  	v24 =	vld [tilespmem:s20+$0x9C50];
	v27 =	vand.u32 $0x7FFF7FFF, v17;
	v25 =	vmul.bf16 v26, v23;
	v11 =	vpop (erf);
	[tilespmem:s7+$0x15C10] =	vst v14;
	v14 =	vunpack.i.l.bf16.f32 v20  }
0x152: {  	v18 =	vpack.i.f32.bf16 v18, v22;
	v20 =	vmul.bf16 v0, v27;
	v22 =	vmul.bf16 v1, v11;
	[tilespmem:s7+$0x15C20] =	vst v14  }
0x153: {  	v19 =	vadd.bf16 v2, v19;
	v14 =	vand.u32 $0x7FFF7FFF, v18;
	v25 =	vadd.bf16 v3, v25;
	v15 =	vpop (erf);
	[tilespmem:s7+$0x15C30] =	vst v21  }
0x154: {  	v14 =	vmul.bf16 v0, v14;
	v10 =	vpack.i.f32.bf16 v10, v13;
	(erf) = vpow2.bf16 v20  }
0x155: {  	v20 =	vmul.bf16 v1, v15;
	v13 =	vand.u32 $0x7FFF7FFF, v10;
	v21 =	vmul.bf16 v25, v23  }
0x156: {  	v13 =	vmul.bf16 v0, v13;
	v23 =	vpack.i.f32.bf16 v24, v16;
	v16 =	vmax.bf16 v5, v4;
	v5 =	vmovc v17  }
0x157: {  	v17 =	vand.u32 $0x7FFF7FFF, v23;
	(erf) = vpow2.bf16 v14;
	v16 =	vadd.bf16 v21, v16  }
.Ltmp2:
0x158: {  	v20 =	vadd.bf16 v2, v20;
	v14 =	vadd.bf16 v2, v22;
	v17 =	vmul.bf16 v0, v17;
	(pc) =	sbr.rel @p0 .LBB2_7-.Ltmp2, $4  }
0x159: {  	v19 =	vmul.bf16 v19, v12;
	(erf) = vpow2.bf16 v13;
	v21 =	vunpack.i.u.bf16.f32 v16  }
0x15a: {  	v22 =	vmul.bf16 v20, v15;
	v13 =	vmax.bf16 v18, v4;
	v18 =	vmul.bf16 v14, v11;
	[tilespmem:s15+$0x15C70] =	vst v21  }
0x15b: {  	s10 =	sshra.s32 s11, $0x2;
	v20 =	vadd.bf16 v3, v19;
	v14 =	vmax.bf16 v10, v4;
	(erf) = vpow2.bf16 v17  }
0x15c: {  	s11 =	sadd.s32 $0x200, s11;
	v10 =	vmax.bf16 v23, v4;
	v19 =	vadd.bf16 v3, v18;
	v18 =	vadd.bf16 v3, v22;
	v17 =	vld [tilespmem:s10+$0x9C60]  }
0x15d: {  	v21 =	vld [tilespmem:s10+$0x9C70]  }
0x15e: {  	v22 =	vunpack.i.l.bf16.f32 v9;
	v12 =	vmul.bf16 v20, v12  }
0x15f: {  	v23 =	vld [tilespmem:s10+$0x9C00];
	v61 =	vunpack.i.u.bf16.f32 v9;
	[tilespmem:s7+$0x15C40] =	vst v22  }
0x160: {  	v62 =	vunpack.i.l.bf16.f32 v16;
	v22 =	vld [tilespmem:s10+$0x9C10];
	[tilespmem:s7+$0x15C50] =	vst v61;
	v8 =	vadd.bf16 v12, v8  }
0x161: {  	v63 =	vld [tilespmem:s10+$0x9C20];
	[tilespmem:s15+$0x15C60] =	vst v62  }
0x162: {  	v9 =	vld [tilespmem:s10+$0x9C30];
	v12 =	vunpack.i.l.bf16.f32 v8;
	v17 =	vpack.i.f32.bf16 v21, v17  }
0x163: {  	v28 =	vld [tilespmem:s10+$0x9C40];
	[tilespmem:s15+$0x15C00] =	vst v12;
	v29 =	vand.u32 $0x7FFF7FFF, v17  }
0x164: {  	v30 =	vld [tilespmem:s10+$0x9C50];
	v12 =	vmul.bf16 v0, v29  }
0x165: {  	v24 =	vpop (erf);
	v22 =	vpack.i.f32.bf16 v22, v23  }
0x166: {  	v31 =	vmul.bf16 v1, v24;
	v25 =	vand.u32 $0x7FFF7FFF, v22;
	(erf) = vpow2.bf16 v12  }
0x167: {  	v11 =	vmul.bf16 v19, v11;
	v32 =	vmul.bf16 v0, v25;
	v9 =	vpack.i.f32.bf16 v9, v63  }
0x168: {  	v15 =	vmul.bf16 v18, v15;
	v33 =	vadd.bf16 v2, v31;
	v34 =	vand.u32 $0x7FFF7FFF, v9  }
0x169: {  	v35 =	vpop (erf);
	v18 =	vmul.bf16 v0, v34;
	v20 =	vpack.i.f32.bf16 v30, v28;
	(erf) = vpow2.bf16 v32  }
0x16a: {  	v5 =	vmax.bf16 v5, v4;
	v16 =	vmul.bf16 v33, v24;
	v38 =	vand.u32 $0x7FFF7FFF, v20  }
0x16b: {  	v6 =	vadd.bf16 v11, v6;
	v37 =	vpop (erf);
	v23 =	vmul.bf16 v0, v38;
	(erf) = vpow2.bf16 v18  }
0x16c: {  	v7 =	vadd.bf16 v15, v7;
	v36 =	vmul.bf16 v1, v35;
	v40 =	vmul.bf16 v1, v37  }
0x16d: {  	v8 =	vunpack.i.u.bf16.f32 v8;
	v39 =	vpop (erf);
	v16 =	vadd.bf16 v3, v16;
	(erf) = vpow2.bf16 v23  }
0x16e: {  	v42 =	vunpack.i.u.bf16.f32 v6;
	v12 =	vadd.bf16 v2, v36;
	v15 =	vadd.bf16 v2, v40  }
0x16f: {  	v6 =	vunpack.i.l.bf16.f32 v6;
	v41 =	vmul.bf16 v1, v39;
	v16 =	vmul.bf16 v16, v24  }
0x170: {  	[tilespmem:s15+$0x15C20] =	vst v6;
	v6 =	vunpack.i.u.bf16.f32 v7;
	v12 =	vmul.bf16 v12, v35;
	v15 =	vmul.bf16 v15, v37;
	v43 =	vpop (erf)  }
0x171: {  	v5 =	vadd.bf16 v16, v5;
	v18 =	vadd.bf16 v2, v41;
	v44 =	vmul.bf16 v1, v43  }
0x172: {  	v7 =	vunpack.i.l.bf16.f32 v7;
	v12 =	vadd.bf16 v3, v12;
	v15 =	vadd.bf16 v3, v15  }
0x173: {  	v56 =	vmax.bf16 v17, v4;
	v18 =	vmul.bf16 v18, v39;
	v16 =	vadd.bf16 v2, v44  }
0x174: {  	[tilespmem:s15+$0x15C10] =	vst v8;
	v45 =	vunpack.i.u.bf16.f32 v5;
	v12 =	vmul.bf16 v12, v35;
	v15 =	vmul.bf16 v15, v37;
	v46 =	vpop (erf)  }
0x175: {  	[tilespmem:s15+$0x15C30] =	vst v42;
	v18 =	vadd.bf16 v3, v18;
	v47 =	vmul.bf16 v1, v46;
	v16 =	vmul.bf16 v16, v43  }
0x176: {  	v5 =	vunpack.i.l.bf16.f32 v5;
	[tilespmem:s20+$0x15C70] =	vst v45;
	v48 =	vadd.bf16 v12, v13;
	v49 =	vadd.bf16 v15, v14;
	v50 =	vpop (erf)  }
0x177: {  	[tilespmem:s15+$0x15C40] =	vst v7;
	v7 =	vmul.bf16 v1, v50;
	v51 =	vadd.bf16 v2, v47;
	v53 =	vpop (erf);
	v52 =	vadd.bf16 v3, v16  }
0x178: {  	[tilespmem:s15+$0x15C50] =	vst v6;
	v11 =	vmul.bf16 v18, v39;
	v8 =	vunpack.i.l.bf16.f32 v48;
	v54 =	vmul.bf16 v1, v53  }
0x179: {  	[tilespmem:s20+$0x15C60] =	vst v5;
	v7 =	vadd.bf16 v2, v7;
	v14 =	vmul.bf16 v51, v46;
	v5 =	vmul.bf16 v52, v43  }
0x17a: {  	v6 =	vunpack.i.u.bf16.f32 v48;
	v55 =	vunpack.i.l.bf16.f32 v49;
	[tilespmem:s20+$0x15C00] =	vst v8;
	v57 =	vadd.bf16 v2, v54  }
0x17b: {  	[tilespmem:s20+$0x15C10] =	vst v6;
	v6 =	vmul.bf16 v7, v50;
	v7 =	vadd.bf16 v3, v14;
	v5 =	vadd.bf16 v5, v56  }
0x17c: {  	v58 =	vunpack.i.u.bf16.f32 v49;
	[tilespmem:s20+$0x15C20] =	vst v55;
	v10 =	vadd.bf16 v11, v10;
	v59 =	vmul.bf16 v57, v53  }
0x17d: {  	[tilespmem:s20+$0x15C30] =	vst v58;
	v6 =	vadd.bf16 v3, v6;
	v7 =	vmul.bf16 v7, v46;
	v60 =	vunpack.i.u.bf16.f32 v5  }
0x17e: {  	v61 =	vmax.bf16 v22, v4;
	v62 =	vunpack.i.l.bf16.f32 v10;
	v10 =	vunpack.i.u.bf16.f32 v10;
	[tilespmem:s10+$0x15C70] =	vst v60  }
0x17f: {  	v8 =	vadd.bf16 v3, v59;
	v6 =	vmul.bf16 v6, v50;
	v7 =	vadd.bf16 v7, v61;
	[tilespmem:s20+$0x15C40] =	vst v62  }
0x180: {  	v9 =	vmax.bf16 v9, v4;
	v5 =	vunpack.i.l.bf16.f32 v5;
	[tilespmem:s20+$0x15C50] =	vst v10  }
0x181: {  	v8 =	vmul.bf16 v8, v53;
	v6 =	vadd.bf16 v6, v9;
	[tilespmem:s10+$0x15C60] =	vst v5;
	v5 =	vunpack.i.l.bf16.f32 v7  }
0x182: {  	v63 =	vmax.bf16 v20, v4;
	v7 =	vunpack.i.u.bf16.f32 v7;
	[tilespmem:s10+$0x15C00] =	vst v5  }
0x183: {  	p0 =	seq.s32 s2, $0xF;
	v5 =	vadd.bf16 v8, v63;
	[tilespmem:s10+$0x15C10] =	vst v7;
	v7 =	vunpack.i.l.bf16.f32 v6  }
.Ltmp3:
0x184: {  	v6 =	vunpack.i.u.bf16.f32 v6;
	[tilespmem:s10+$0x15C20] =	vst v7;
	(pc) =	sbr.rel @p0 .LBB2_10-.Ltmp3, $4  }
0x185: {  	s20 =	sadd.s32 s9, s13;
	[tilespmem:s10+$0x15C30] =	vst v6;
	v6 =	vunpack.i.l.bf16.f32 v5  }
0x186: {  	s7 =	sshll.u32 s20, $0x4;
	v5 =	vunpack.i.u.bf16.f32 v5;
	[tilespmem:s10+$0x15C40] =	vst v6  }
0x187: {  	s7 =	sadd.s32 s3, s7;
	[tilespmem:s10+$0x15C50] =	vst v5  }
0x188: {  	[hbm4b:s7+s4] =	stream.linear.scatter [tilespmem:s28], [sflag:$0x6], $0x4000, $0x38;
	[tilespmem:$0x19C00] =	vst v63  }
.Ltmp4:
0x189: {  	(pc) =	sbr.rel .LBB2_2-.Ltmp4, $3  }
0x18a: {  	_ =	sdelay $0x1  }
0x18b: {  	s7 =	sadd.s32 $0x280, s14;
	s2 =	sadd.s32 $0x1, s2  }
0x18c: {  	[tilespmem:s21], [sflag:$0x3] =	stream.indirect.gather [hbm4b:s1+s17], $0x80, s7, s17, $0xb8;
	[tilespmem:$0x19C00] =	vst v63  }
.LBB2_10:
0x18d: {  	_ =	swait.ge [sflag:s22], $0x4000  }
0x18e: {  	[sflag:s22] =	ssyncset.done $0x0  }
0x18f: {  	[sflag:s22] =	ssyncadd.s32 $0xFFFFC000  }
0x190: {  	_ =	swait.ge [sflag:s29], $0x4000  }
0x191: {  	[sflag:s29] =	ssyncset.done $0x0  }
0x192: {  	s7 =	simm.s32 $0x0;
	[sflag:s29] =	ssyncadd.s32 $0xFFFFC000  }
0x193: {  	v5 =	vld [tilespmem:s7+$0x1C60]  }
0x194: {  	v6 =	vld [tilespmem:s7+$0x1C70];
	_ =	sdelay $0x4  }
0x195: {  	v7 =	vld [tilespmem:s7+$0x1C00];
	v5 =	vpack.i.f32.bf16 v6, v5  }
0x196: {  	v6 =	vld [tilespmem:s7+$0x1C10];
	v8 =	vand.u32 $0x7FFF7FFF, v5  }
0x197: {  	v9 =	vld [tilespmem:s7+$0x1C20];
	v8 =	vmul.bf16 v0, v8  }
0x198: {  	v10 =	vld [tilespmem:s7+$0x1C30]  }
0x199: {  	v11 =	vld [tilespmem:s7+$0x1C50];
	(erf) = vpow2.bf16 v8  }
0x19a: {  	v8 =	vld [tilespmem:s7+$0x1C40]  }
0x19b: {  	v6 =	vpack.i.f32.bf16 v6, v7  }
0x19c: {  	v7 =	vand.u32 $0x7FFF7FFF, v6  }
0x19d: {  	v9 =	vpack.i.f32.bf16 v10, v9;
	v7 =	vmul.bf16 v0, v7  }
0x19e: {  	v10 =	vand.u32 $0x7FFF7FFF, v9  }
0x19f: {  	v10 =	vmul.bf16 v0, v10;
	(erf) = vpow2.bf16 v7;
	v7 =	vpack.i.f32.bf16 v11, v8  }
0x1a0: {  	s2 =	simm.s32 $0x80;
	v8 =	vand.u32 $0x7FFF7FFF, v7  }
0x1a1: {  	v13 =	vld [tilespmem:s2+$0x1C00];
	(erf) = vpow2.bf16 v10;
	v8 =	vmul.bf16 v0, v8  }
0x1a2: {  	v10 =	vld [tilespmem:s2+$0x1C60]  }
0x1a3: {  	(erf) = vpow2.bf16 v8;
	v8 =	vld [tilespmem:s2+$0x1C70];
	v11 =	vpop (erf)  }
0x1a4: {  	v14 =	vld [tilespmem:s2+$0x1C10];
	v12 =	vmul.bf16 v1, v11  }
0x1a5: {  	v15 =	vld [tilespmem:s2+$0x1C20]  }
0x1a6: {  	v16 =	vld [tilespmem:s2+$0x1C30];
	v12 =	vadd.bf16 v2, v12;
	_ =	sdelay $0x1  }
0x1a7: {  	v10 =	vpack.i.f32.bf16 v8, v10;
	v12 =	vmul.bf16 v12, v11  }
0x1a8: {  	v13 =	vpack.i.f32.bf16 v14, v13;
	v17 =	vand.u32 $0x7FFF7FFF, v10  }
0x1a9: {  	v21 =	vand.u32 $0x7FFF7FFF, v13;
	v8 =	vpop (erf);
	v17 =	vmul.bf16 v0, v17;
	v12 =	vadd.bf16 v3, v12  }
0x1aa: {  	v20 =	vld [tilespmem:s2+$0x1C40];
	v15 =	vpack.i.f32.bf16 v16, v15;
	v21 =	vmul.bf16 v0, v21;
	v18 =	vmul.bf16 v1, v8  }
0x1ab: {  	v16 =	vand.u32 $0x7FFF7FFF, v15;
	v19 =	vpop (erf);
	(erf) = vpow2.bf16 v17;
	v11 =	vmul.bf16 v12, v11;
	v12 =	vld [tilespmem:s2+$0x1C50]  }
0x1ac: {  	v5 =	vmax.bf16 v5, v4;
	v16 =	vmul.bf16 v0, v16;
	v14 =	vmul.bf16 v1, v19  }
0x1ad: {  	v17 =	vpop (erf);
	(erf) = vpow2.bf16 v21;
	v5 =	vadd.bf16 v11, v5;
	v11 =	vadd.bf16 v2, v18  }
0x1ae: {  	v9 =	vmax.bf16 v9, v4;
	v14 =	vadd.bf16 v2, v14;
	v18 =	vmul.bf16 v1, v17  }
0x1af: {  	(erf) = vpow2.bf16 v16;
	v21 =	vunpack.i.u.bf16.f32 v5;
	v11 =	vmul.bf16 v11, v8  }
0x1b0: {  	s13 =	simm.s32 $0x100;
	v14 =	vmul.bf16 v14, v19;
	v18 =	vadd.bf16 v2, v18;
	[tilespmem:s7+$0xDC70] =	vst v21;
	v12 =	vpack.i.f32.bf16 v12, v20  }
0x1b1: {  	v23 =	vmax.bf16 v7, v4;
	v20 =	vand.u32 $0x7FFF7FFF, v12;
	v11 =	vadd.bf16 v3, v11;
	v22 =	vld [tilespmem:s13+$0x1C00]  }
0x1b2: {  	v7 =	vadd.bf16 v3, v14;
	v18 =	vmul.bf16 v18, v17;
	v14 =	vld [tilespmem:s13+$0x1C10];
	v20 =	vmul.bf16 v0, v20  }
0x1b3: {  	v6 =	vmax.bf16 v6, v4;
	v5 =	vunpack.i.l.bf16.f32 v5;
	v16 =	vld [tilespmem:s13+$0x1C60];
	v11 =	vmul.bf16 v11, v8  }
0x1b4: {  	v21 =	vld [tilespmem:s13+$0x1C70];
	v19 =	vmul.bf16 v7, v19;
	v18 =	vadd.bf16 v3, v18;
	(erf) = vpow2.bf16 v20  }
0x1b5: {  	v7 =	vmax.bf16 v12, v4;
	v8 =	vmax.bf16 v13, v4;
	v13 =	vpop (erf);
	v11 =	vadd.bf16 v11, v6  }
0x1b6: {  	v20 =	vld [tilespmem:s13+$0x1C20];
	[tilespmem:s7+$0xDC60] =	vst v5;
	v6 =	vmax.bf16 v15, v4;
	v5 =	vmul.bf16 v18, v17;
	v15 =	vmul.bf16 v1, v13  }
0x1b7: {  	v17 =	vld [tilespmem:s13+$0x1C30];
	v18 =	vadd.bf16 v19, v9;
	v14 =	vpack.i.f32.bf16 v14, v22;
	v19 =	vunpack.i.l.bf16.f32 v11  }
0x1b8: {  	v12 =	vpop (erf);
	v9 =	vadd.bf16 v5, v23;
	v15 =	vadd.bf16 v2, v15;
	v23 =	vunpack.i.u.bf16.f32 v11  }
0x1b9: {  	v24 =	vld [tilespmem:s13+$0x1C40];
	v5 =	vpack.i.f32.bf16 v21, v16;
	v16 =	vmul.bf16 v1, v12;
	[tilespmem:s7+$0xDC00] =	vst v19;
	v19 =	vunpack.i.u.bf16.f32 v18  }
0x1ba: {  	v25 =	vand.u32 $0x7FFF7FFF, v5;
	v18 =	vunpack.i.l.bf16.f32 v18;
	v15 =	vmul.bf16 v15, v13;
	v11 =	vpop (erf)  }
0x1bb: {  	v21 =	vld [tilespmem:s13+$0x1C50];
	v22 =	vmul.bf16 v0, v25;
	v27 =	vadd.bf16 v2, v16;
	v63 =	vmul.bf16 v1, v11  }
0x1bc: {  	v17 =	vpack.i.f32.bf16 v17, v20;
	v20 =	vand.u32 $0x7FFF7FFF, v14;
	v26 =	vadd.bf16 v3, v15  }
0x1bd: {  	[tilespmem:s7+$0xDC10] =	vst v23;
	v16 =	vmul.bf16 v0, v20;
	(erf) = vpow2.bf16 v22;
	v20 =	vand.u32 $0x7FFF7FFF, v17  }
0x1be: {  	[tilespmem:s7+$0xDC20] =	vst v18;
	v18 =	vmul.bf16 v27, v12;
	v20 =	vmul.bf16 v0, v20;
	v23 =	vadd.bf16 v2, v63;
	v15 =	vpop (erf)  }
0x1bf: {  	v10 =	vmax.bf16 v10, v4;
	v13 =	vmul.bf16 v26, v13;
	v22 =	vmul.bf16 v1, v15  }
0x1c0: {  	[tilespmem:s7+$0xDC30] =	vst v19;
	(erf) = vpow2.bf16 v16;
	v21 =	vpack.i.f32.bf16 v21, v24;
	v19 =	vmul.bf16 v23, v11  }
0x1c1: {  	v24 =	vand.u32 $0x7FFF7FFF, v21;
	v16 =	vadd.bf16 v13, v10;
	v22 =	vadd.bf16 v2, v22  }
0x1c2: {  	(erf) = vpow2.bf16 v20;
	v10 =	vmul.bf16 v0, v24  }
0x1c3: {  	v13 =	vmax.bf16 v14, v4;
	v20 =	vunpack.i.u.bf16.f32 v16;
	v22 =	vmul.bf16 v22, v15  }
0x1c4: {  	s10 =	simm.s32 $0x180;
	v14 =	vmax.bf16 v17, v4;
	[tilespmem:s2+$0xDC70] =	vst v20;
	(erf) = vpow2.bf16 v10;
	v20 =	vadd.bf16 v3, v18  }
0x1c5: {  	s11 =	simm.s32 $0x800;
	v19 =	vadd.bf16 v3, v19;
	v10 =	vmax.bf16 v21, v4;
	v17 =	vld [tilespmem:s10+$0x1C60];
	v18 =	vadd.bf16 v3, v22  }
.LBB2_11:
0x1c6: {  	p0 =	sne.s32 s11, $0xFE00;
	v21 =	vld [tilespmem:s10+$0x1C70];
	v12 =	vmul.bf16 v20, v12;
	v20 =	vunpack.i.u.bf16.f32 v9;
	v9 =	vunpack.i.l.bf16.f32 v9  }
0x1c7: {  	v16 =	vunpack.i.l.bf16.f32 v16;
	v22 =	vld [tilespmem:s10+$0x1C00];
	v23 =	vpop (erf);
	v11 =	vmul.bf16 v19, v11;
	v15 =	vmul.bf16 v18, v15;
	[tilespmem:s7+$0xDC40] =	vst v9  }
0x1c8: {  	v18 =	vld [tilespmem:s10+$0x1C10];
	v19 =	vmul.bf16 v1, v23;
	v24 =	vadd.bf16 v12, v8;
	[tilespmem:s7+$0xDC50] =	vst v20;
	v8 =	vmov v13;
	s7 =	smov.u32 s2;
	s2 =	smov.u32 s13;
	s13 =	smov.u32 s10  }
0x1c9: {  	v13 =	vld [tilespmem:s13+$0x1C20];
	v20 =	vadd.bf16 v11, v6;
	v9 =	vadd.bf16 v15, v7;
	[tilespmem:s7+$0xDC60] =	vst v16;
	v6 =	vmovc v14;
	v7 =	vmov v10  }
0x1ca: {  	v10 =	vld [tilespmem:s13+$0x1C30];
	v26 =	vadd.bf16 v2, v19;
	v12 =	vpop (erf);
	v14 =	vunpack.i.u.bf16.f32 v24;
	v15 =	vunpack.i.l.bf16.f32 v24  }
0x1cb: {  	v16 =	vld [tilespmem:s13+$0x1C40];
	v17 =	vpack.i.f32.bf16 v21, v17;
	v19 =	vmul.bf16 v1, v12;
	[tilespmem:s7+$0xDC00] =	vst v15;
	v21 =	vunpack.i.u.bf16.f32 v20  }
0x1cc: {  	v24 =	vld [tilespmem:s13+$0x1C50];
	v27 =	vand.u32 $0x7FFF7FFF, v17;
	v25 =	vmul.bf16 v26, v23;
	v11 =	vpop (erf);
	[tilespmem:s7+$0xDC10] =	vst v14;
	v14 =	vunpack.i.l.bf16.f32 v20  }
0x1cd: {  	v18 =	vpack.i.f32.bf16 v18, v22;
	v20 =	vmul.bf16 v0, v27;
	v22 =	vmul.bf16 v1, v11;
	[tilespmem:s7+$0xDC20] =	vst v14  }
0x1ce: {  	v19 =	vadd.bf16 v2, v19;
	v14 =	vand.u32 $0x7FFF7FFF, v18;
	v25 =	vadd.bf16 v3, v25;
	v15 =	vpop (erf);
	[tilespmem:s7+$0xDC30] =	vst v21  }
0x1cf: {  	v14 =	vmul.bf16 v0, v14;
	v10 =	vpack.i.f32.bf16 v10, v13;
	(erf) = vpow2.bf16 v20  }
0x1d0: {  	v20 =	vmul.bf16 v1, v15;
	v13 =	vand.u32 $0x7FFF7FFF, v10;
	v21 =	vmul.bf16 v25, v23  }
0x1d1: {  	v13 =	vmul.bf16 v0, v13;
	v23 =	vpack.i.f32.bf16 v24, v16;
	v16 =	vmax.bf16 v5, v4;
	v5 =	vmovc v17  }
0x1d2: {  	v17 =	vand.u32 $0x7FFF7FFF, v23;
	(erf) = vpow2.bf16 v14;
	v16 =	vadd.bf16 v21, v16  }
.Ltmp5:
0x1d3: {  	v20 =	vadd.bf16 v2, v20;
	v14 =	vadd.bf16 v2, v22;
	v17 =	vmul.bf16 v0, v17;
	(pc) =	sbr.rel @p0 .LBB2_11-.Ltmp5, $4  }
0x1d4: {  	v19 =	vmul.bf16 v19, v12;
	(erf) = vpow2.bf16 v13;
	v21 =	vunpack.i.u.bf16.f32 v16  }
0x1d5: {  	v22 =	vmul.bf16 v20, v15;
	v13 =	vmax.bf16 v18, v4;
	v18 =	vmul.bf16 v14, v11;
	[tilespmem:s2+$0xDC70] =	vst v21  }
0x1d6: {  	s10 =	sshra.s32 s11, $0x2;
	v20 =	vadd.bf16 v3, v19;
	v14 =	vmax.bf16 v10, v4;
	(erf) = vpow2.bf16 v17  }
0x1d7: {  	s11 =	sadd.s32 $0x200, s11;
	v10 =	vmax.bf16 v23, v4;
	v19 =	vadd.bf16 v3, v18;
	v18 =	vadd.bf16 v3, v22;
	v17 =	vld [tilespmem:s10+$0x1C60]  }
0x1d8: {  	v21 =	vld [tilespmem:s10+$0x1C70]  }
0x1d9: {  	v22 =	vunpack.i.l.bf16.f32 v9;
	v12 =	vmul.bf16 v20, v12  }
0x1da: {  	v23 =	vld [tilespmem:s10+$0x1C00];
	v9 =	vunpack.i.u.bf16.f32 v9;
	[tilespmem:s7+$0xDC40] =	vst v22  }
0x1db: {  	v22 =	vld [tilespmem:s10+$0x1C10];
	[tilespmem:s7+$0xDC50] =	vst v9;
	v9 =	vunpack.i.l.bf16.f32 v16;
	v8 =	vadd.bf16 v12, v8  }
0x1dc: {  	v16 =	vld [tilespmem:s10+$0x1C20];
	[tilespmem:s2+$0xDC60] =	vst v9  }
0x1dd: {  	v9 =	vld [tilespmem:s10+$0x1C30];
	v12 =	vunpack.i.l.bf16.f32 v8;
	v17 =	vpack.i.f32.bf16 v21, v17  }
0x1de: {  	v20 =	vld [tilespmem:s10+$0x1C40];
	[tilespmem:s2+$0xDC00] =	vst v12;
	v12 =	vand.u32 $0x7FFF7FFF, v17  }
0x1df: {  	v21 =	vld [tilespmem:s10+$0x1C50];
	v12 =	vmul.bf16 v0, v12  }
0x1e0: {  	v24 =	vpop (erf);
	v11 =	vmul.bf16 v19, v11;
	v22 =	vpack.i.f32.bf16 v22, v23  }
0x1e1: {  	v23 =	vmul.bf16 v1, v24;
	v25 =	vand.u32 $0x7FFF7FFF, v22;
	(erf) = vpow2.bf16 v12  }
0x1e2: {  	v12 =	vmul.bf16 v0, v25;
	v9 =	vpack.i.f32.bf16 v9, v16  }
0x1e3: {  	v15 =	vmul.bf16 v18, v15;
	v19 =	vpop (erf);
	v16 =	vadd.bf16 v2, v23;
	v18 =	vand.u32 $0x7FFF7FFF, v9  }
0x1e4: {  	v18 =	vmul.bf16 v0, v18;
	v20 =	vpack.i.f32.bf16 v21, v20;
	(erf) = vpow2.bf16 v12;
	v21 =	vpop (erf)  }
0x1e5: {  	v6 =	vadd.bf16 v11, v6;
	v12 =	vmul.bf16 v1, v19;
	v16 =	vmul.bf16 v16, v24;
	v11 =	vpop (erf)  }
0x1e6: {  	v23 =	vand.u32 $0x7FFF7FFF, v20;
	(erf) = vpow2.bf16 v18;
	v18 =	vmul.bf16 v1, v11  }
0x1e7: {  	v7 =	vadd.bf16 v15, v7;
	v15 =	vmul.bf16 v1, v21;
	v23 =	vmul.bf16 v0, v23  }
0x1e8: {  	v16 =	vadd.bf16 v3, v16;
	v18 =	vadd.bf16 v2, v18  }
0x1e9: {  	v12 =	vadd.bf16 v2, v12;
	v15 =	vadd.bf16 v2, v15;
	(erf) = vpow2.bf16 v23  }
0x1ea: {  	v16 =	vmul.bf16 v16, v24;
	v18 =	vmul.bf16 v18, v11  }
0x1eb: {  	v5 =	vmax.bf16 v5, v4;
	v12 =	vmul.bf16 v12, v19;
	v15 =	vmul.bf16 v15, v21;
	v60 =	vpop (erf)  }
0x1ec: {  	v5 =	vadd.bf16 v16, v5;
	v18 =	vadd.bf16 v3, v18;
	v16 =	vmul.bf16 v1, v60  }
0x1ed: {  	v8 =	vunpack.i.u.bf16.f32 v8;
	v12 =	vadd.bf16 v3, v12;
	v15 =	vadd.bf16 v3, v15  }
0x1ee: {  	[tilespmem:s2+$0xDC10] =	vst v8;
	v23 =	vunpack.i.u.bf16.f32 v6;
	v6 =	vunpack.i.l.bf16.f32 v6;
	v16 =	vadd.bf16 v2, v16  }
0x1ef: {  	[tilespmem:s2+$0xDC20] =	vst v6;
	v6 =	vunpack.i.u.bf16.f32 v7;
	v12 =	vmul.bf16 v12, v19;
	v15 =	vmul.bf16 v15, v21  }
0x1f0: {  	[tilespmem:s2+$0xDC30] =	vst v23;
	v8 =	vunpack.i.u.bf16.f32 v5;
	v11 =	vmul.bf16 v18, v11;
	v18 =	vpop (erf);
	v16 =	vmul.bf16 v16, v60  }
0x1f1: {  	v7 =	vunpack.i.l.bf16.f32 v7;
	[tilespmem:s13+$0xDC70] =	vst v8;
	v8 =	vadd.bf16 v12, v13;
	v19 =	vmul.bf16 v1, v18;
	v13 =	vpop (erf)  }
0x1f2: {  	[tilespmem:s2+$0xDC40] =	vst v7;
	v12 =	vadd.bf16 v15, v14;
	v7 =	vmul.bf16 v1, v13;
	v15 =	vadd.bf16 v3, v16  }
0x1f3: {  	v5 =	vunpack.i.l.bf16.f32 v5;
	[tilespmem:s2+$0xDC50] =	vst v6;
	v14 =	vadd.bf16 v2, v19  }
0x1f4: {  	[tilespmem:s13+$0xDC60] =	vst v5;
	v6 =	vunpack.i.u.bf16.f32 v8;
	v7 =	vadd.bf16 v2, v7;
	v16 =	vpop (erf);
	v5 =	vmul.bf16 v15, v60  }
0x1f5: {  	v14 =	vmul.bf16 v14, v18;
	v15 =	vmax.bf16 v17, v4;
	v19 =	vmul.bf16 v1, v16  }
0x1f6: {  	v8 =	vunpack.i.l.bf16.f32 v8;
	[tilespmem:s13+$0xDC10] =	vst v6;
	v6 =	vmul.bf16 v7, v13;
	v5 =	vadd.bf16 v5, v15  }
0x1f7: {  	[tilespmem:s13+$0xDC00] =	vst v8;
	v8 =	vunpack.i.l.bf16.f32 v12;
	v7 =	vadd.bf16 v3, v14;
	v17 =	vadd.bf16 v2, v19  }
0x1f8: {  	v10 =	vadd.bf16 v11, v10;
	v11 =	vunpack.i.u.bf16.f32 v12;
	[tilespmem:s13+$0xDC20] =	vst v8;
	v6 =	vadd.bf16 v3, v6  }
0x1f9: {  	[tilespmem:s13+$0xDC30] =	vst v11;
	v11 =	vunpack.i.u.bf16.f32 v5;
	v7 =	vmul.bf16 v7, v18;
	v8 =	vmul.bf16 v17, v16  }
0x1fa: {  	v12 =	vmax.bf16 v22, v4;
	[tilespmem:s10+$0xDC70] =	vst v11;
	v11 =	vunpack.i.l.bf16.f32 v10;
	v10 =	vunpack.i.u.bf16.f32 v10  }
0x1fb: {  	v6 =	vmul.bf16 v6, v13;
	[tilespmem:s13+$0xDC40] =	vst v11;
	v7 =	vadd.bf16 v7, v12;
	v8 =	vadd.bf16 v3, v8  }
0x1fc: {  	v9 =	vmax.bf16 v9, v4;
	v5 =	vunpack.i.l.bf16.f32 v5;
	[tilespmem:s13+$0xDC50] =	vst v10  }
0x1fd: {  	v6 =	vadd.bf16 v6, v9;
	[tilespmem:s10+$0xDC60] =	vst v5;
	v5 =	vunpack.i.l.bf16.f32 v7;
	v8 =	vmul.bf16 v8, v16  }
0x1fe: {  	v9 =	vmax.bf16 v20, v4;
	v7 =	vunpack.i.u.bf16.f32 v7;
	[tilespmem:s10+$0xDC00] =	vst v5  }
0x1ff: {  	[tilespmem:s10+$0xDC10] =	vst v7;
	v7 =	vunpack.i.l.bf16.f32 v6;
	v5 =	vadd.bf16 v8, v9  }
0x200: {  	v6 =	vunpack.i.u.bf16.f32 v6;
	[tilespmem:s10+$0xDC20] =	vst v7  }
0x201: {  	[tilespmem:s10+$0xDC30] =	vst v6;
	v6 =	vunpack.i.l.bf16.f32 v5  }
0x202: {  	v5 =	vunpack.i.u.bf16.f32 v5;
	[tilespmem:s10+$0xDC40] =	vst v6  }
0x203: {  	s15 =	simm.s32 $0x0;
	s20 =	rddreg [dreg:$0x5];
	[tilespmem:s10+$0xDC50] =	vst v5  }
0x204: {  	[hbm4b:s20+s15] =	stream.linear.scatter [tilespmem:s23], [sflag:$0x4], $0x4000, $0x38;
	[tilespmem:$0x19C00] =	vst v63  }
0x205: {  	_ =	swait.ge [sflag:s24], $0x4000  }
0x206: {  	[sflag:s24] =	ssyncset.done $0x0  }
0x207: {  	[sflag:s24] =	ssyncadd.s32 $0xFFFFC000  }
0x208: {  	_ =	swait.ge [sflag:s30], $0x4000  }
0x209: {  	[sflag:s30] =	ssyncset.done $0x0  }
0x20a: {  	s7 =	simm.s32 $0x0;
	[sflag:s30] =	ssyncadd.s32 $0xFFFFC000  }
0x20b: {  	v5 =	vld [tilespmem:s7+$0x5C60]  }
0x20c: {  	v6 =	vld [tilespmem:s7+$0x5C70];
	_ =	sdelay $0x4  }
0x20d: {  	v7 =	vld [tilespmem:s7+$0x5C00];
	v5 =	vpack.i.f32.bf16 v6, v5  }
0x20e: {  	v6 =	vld [tilespmem:s7+$0x5C10];
	v8 =	vand.u32 $0x7FFF7FFF, v5  }
0x20f: {  	v9 =	vld [tilespmem:s7+$0x5C20];
	v8 =	vmul.bf16 v0, v8  }
0x210: {  	v10 =	vld [tilespmem:s7+$0x5C30]  }
0x211: {  	v11 =	vld [tilespmem:s7+$0x5C50];
	(erf) = vpow2.bf16 v8  }
0x212: {  	v8 =	vld [tilespmem:s7+$0x5C40]  }
0x213: {  	v6 =	vpack.i.f32.bf16 v6, v7  }
0x214: {  	v7 =	vand.u32 $0x7FFF7FFF, v6  }
0x215: {  	v9 =	vpack.i.f32.bf16 v10, v9;
	v7 =	vmul.bf16 v0, v7  }
0x216: {  	v10 =	vand.u32 $0x7FFF7FFF, v9  }
0x217: {  	v10 =	vmul.bf16 v0, v10;
	(erf) = vpow2.bf16 v7;
	v7 =	vpack.i.f32.bf16 v11, v8  }
0x218: {  	s2 =	simm.s32 $0x80;
	v8 =	vand.u32 $0x7FFF7FFF, v7  }
0x219: {  	v13 =	vld [tilespmem:s2+$0x5C00];
	(erf) = vpow2.bf16 v10;
	v8 =	vmul.bf16 v0, v8  }
0x21a: {  	v10 =	vld [tilespmem:s2+$0x5C60]  }
0x21b: {  	(erf) = vpow2.bf16 v8;
	v8 =	vld [tilespmem:s2+$0x5C70];
	v11 =	vpop (erf)  }
0x21c: {  	v14 =	vld [tilespmem:s2+$0x5C10];
	v12 =	vmul.bf16 v1, v11  }
0x21d: {  	v15 =	vld [tilespmem:s2+$0x5C20]  }
0x21e: {  	v16 =	vld [tilespmem:s2+$0x5C30];
	v12 =	vadd.bf16 v2, v12;
	_ =	sdelay $0x1  }
0x21f: {  	v10 =	vpack.i.f32.bf16 v8, v10;
	v12 =	vmul.bf16 v12, v11  }
0x220: {  	v13 =	vpack.i.f32.bf16 v14, v13;
	v17 =	vand.u32 $0x7FFF7FFF, v10  }
0x221: {  	v21 =	vand.u32 $0x7FFF7FFF, v13;
	v8 =	vpop (erf);
	v17 =	vmul.bf16 v0, v17;
	v12 =	vadd.bf16 v3, v12  }
0x222: {  	v20 =	vld [tilespmem:s2+$0x5C40];
	v15 =	vpack.i.f32.bf16 v16, v15;
	v21 =	vmul.bf16 v0, v21;
	v18 =	vmul.bf16 v1, v8  }
0x223: {  	v16 =	vand.u32 $0x7FFF7FFF, v15;
	v19 =	vpop (erf);
	(erf) = vpow2.bf16 v17;
	v11 =	vmul.bf16 v12, v11;
	v12 =	vld [tilespmem:s2+$0x5C50]  }
0x224: {  	v5 =	vmax.bf16 v5, v4;
	v16 =	vmul.bf16 v0, v16;
	v14 =	vmul.bf16 v1, v19  }
0x225: {  	v17 =	vpop (erf);
	(erf) = vpow2.bf16 v21;
	v5 =	vadd.bf16 v11, v5;
	v11 =	vadd.bf16 v2, v18  }
0x226: {  	v9 =	vmax.bf16 v9, v4;
	v14 =	vadd.bf16 v2, v14;
	v18 =	vmul.bf16 v1, v17  }
0x227: {  	(erf) = vpow2.bf16 v16;
	v21 =	vunpack.i.u.bf16.f32 v5;
	v11 =	vmul.bf16 v11, v8  }
0x228: {  	s13 =	simm.s32 $0x100;
	v14 =	vmul.bf16 v14, v19;
	v18 =	vadd.bf16 v2, v18;
	[tilespmem:s7+$0x11C70] =	vst v21;
	v12 =	vpack.i.f32.bf16 v12, v20  }
0x229: {  	v23 =	vmax.bf16 v7, v4;
	v20 =	vand.u32 $0x7FFF7FFF, v12;
	v11 =	vadd.bf16 v3, v11;
	v22 =	vld [tilespmem:s13+$0x5C00]  }
0x22a: {  	v7 =	vadd.bf16 v3, v14;
	v18 =	vmul.bf16 v18, v17;
	v14 =	vld [tilespmem:s13+$0x5C10];
	v20 =	vmul.bf16 v0, v20  }
0x22b: {  	v6 =	vmax.bf16 v6, v4;
	v5 =	vunpack.i.l.bf16.f32 v5;
	v16 =	vld [tilespmem:s13+$0x5C60];
	v11 =	vmul.bf16 v11, v8  }
0x22c: {  	v21 =	vld [tilespmem:s13+$0x5C70];
	v19 =	vmul.bf16 v7, v19;
	v18 =	vadd.bf16 v3, v18;
	(erf) = vpow2.bf16 v20  }
0x22d: {  	v7 =	vmax.bf16 v12, v4;
	v8 =	vmax.bf16 v13, v4;
	v13 =	vpop (erf);
	v11 =	vadd.bf16 v11, v6  }
0x22e: {  	v20 =	vld [tilespmem:s13+$0x5C20];
	[tilespmem:s7+$0x11C60] =	vst v5;
	v6 =	vmax.bf16 v15, v4;
	v5 =	vmul.bf16 v18, v17;
	v15 =	vmul.bf16 v1, v13  }
0x22f: {  	v17 =	vld [tilespmem:s13+$0x5C30];
	v18 =	vadd.bf16 v19, v9;
	v14 =	vpack.i.f32.bf16 v14, v22;
	v19 =	vunpack.i.l.bf16.f32 v11  }
0x230: {  	v12 =	vpop (erf);
	v9 =	vadd.bf16 v5, v23;
	v15 =	vadd.bf16 v2, v15;
	v23 =	vunpack.i.u.bf16.f32 v11  }
0x231: {  	v61 =	vld [tilespmem:s13+$0x5C40];
	v5 =	vpack.i.f32.bf16 v21, v16;
	v16 =	vmul.bf16 v1, v12;
	[tilespmem:s7+$0x11C00] =	vst v19;
	v19 =	vunpack.i.u.bf16.f32 v18  }
0x232: {  	v62 =	vand.u32 $0x7FFF7FFF, v5;
	v18 =	vunpack.i.l.bf16.f32 v18;
	v15 =	vmul.bf16 v15, v13;
	v11 =	vpop (erf)  }
0x233: {  	v21 =	vld [tilespmem:s13+$0x5C50];
	v22 =	vmul.bf16 v0, v62;
	v27 =	vadd.bf16 v2, v16;
	v63 =	vmul.bf16 v1, v11  }
0x234: {  	v17 =	vpack.i.f32.bf16 v17, v20;
	v20 =	vand.u32 $0x7FFF7FFF, v14;
	v26 =	vadd.bf16 v3, v15  }
0x235: {  	[tilespmem:s7+$0x11C10] =	vst v23;
	v16 =	vmul.bf16 v0, v20;
	(erf) = vpow2.bf16 v22;
	v20 =	vand.u32 $0x7FFF7FFF, v17  }
0x236: {  	[tilespmem:s7+$0x11C20] =	vst v18;
	v18 =	vmul.bf16 v27, v12;
	v20 =	vmul.bf16 v0, v20;
	v23 =	vadd.bf16 v2, v63;
	v15 =	vpop (erf)  }
0x237: {  	v10 =	vmax.bf16 v10, v4;
	v13 =	vmul.bf16 v26, v13;
	v22 =	vmul.bf16 v1, v15  }
0x238: {  	[tilespmem:s7+$0x11C30] =	vst v19;
	(erf) = vpow2.bf16 v16;
	v21 =	vpack.i.f32.bf16 v21, v61;
	v19 =	vmul.bf16 v23, v11  }
0x239: {  	v24 =	vand.u32 $0x7FFF7FFF, v21;
	v16 =	vadd.bf16 v13, v10;
	v22 =	vadd.bf16 v2, v22  }
0x23a: {  	(erf) = vpow2.bf16 v20;
	v10 =	vmul.bf16 v0, v24  }
0x23b: {  	v13 =	vmax.bf16 v14, v4;
	v20 =	vunpack.i.u.bf16.f32 v16;
	v22 =	vmul.bf16 v22, v15  }
0x23c: {  	s10 =	simm.s32 $0x180;
	v14 =	vmax.bf16 v17, v4;
	[tilespmem:s2+$0x11C70] =	vst v20;
	(erf) = vpow2.bf16 v10;
	v20 =	vadd.bf16 v3, v18  }
0x23d: {  	s11 =	simm.s32 $0x800;
	v19 =	vadd.bf16 v3, v19;
	v10 =	vmax.bf16 v21, v4;
	v17 =	vld [tilespmem:s10+$0x5C60];
	v18 =	vadd.bf16 v3, v22  }
.LBB2_13:
0x23e: {  	p0 =	sne.s32 s11, $0xFE00;
	v21 =	vld [tilespmem:s10+$0x5C70];
	v12 =	vmul.bf16 v20, v12;
	v20 =	vunpack.i.u.bf16.f32 v9;
	v9 =	vunpack.i.l.bf16.f32 v9  }
0x23f: {  	v16 =	vunpack.i.l.bf16.f32 v16;
	v22 =	vld [tilespmem:s10+$0x5C00];
	v23 =	vpop (erf);
	v11 =	vmul.bf16 v19, v11;
	v15 =	vmul.bf16 v18, v15;
	[tilespmem:s7+$0x11C40] =	vst v9  }
0x240: {  	v18 =	vld [tilespmem:s10+$0x5C10];
	v19 =	vmul.bf16 v1, v23;
	v24 =	vadd.bf16 v12, v8;
	[tilespmem:s7+$0x11C50] =	vst v20;
	v8 =	vmov v13;
	s7 =	smov.u32 s2;
	s2 =	smov.u32 s13;
	s13 =	smov.u32 s10  }
0x241: {  	v13 =	vld [tilespmem:s13+$0x5C20];
	v20 =	vadd.bf16 v11, v6;
	v9 =	vadd.bf16 v15, v7;
	[tilespmem:s7+$0x11C60] =	vst v16;
	v6 =	vmovc v14;
	v7 =	vmov v10  }
0x242: {  	v10 =	vld [tilespmem:s13+$0x5C30];
	v26 =	vadd.bf16 v2, v19;
	v12 =	vpop (erf);
	v14 =	vunpack.i.u.bf16.f32 v24;
	v15 =	vunpack.i.l.bf16.f32 v24  }
0x243: {  	v16 =	vld [tilespmem:s13+$0x5C40];
	v17 =	vpack.i.f32.bf16 v21, v17;
	v19 =	vmul.bf16 v1, v12;
	[tilespmem:s7+$0x11C00] =	vst v15;
	v21 =	vunpack.i.u.bf16.f32 v20  }
0x244: {  	v24 =	vld [tilespmem:s13+$0x5C50];
	v27 =	vand.u32 $0x7FFF7FFF, v17;
	v25 =	vmul.bf16 v26, v23;
	v11 =	vpop (erf);
	[tilespmem:s7+$0x11C10] =	vst v14;
	v14 =	vunpack.i.l.bf16.f32 v20  }
0x245: {  	v18 =	vpack.i.f32.bf16 v18, v22;
	v20 =	vmul.bf16 v0, v27;
	v22 =	vmul.bf16 v1, v11;
	[tilespmem:s7+$0x11C20] =	vst v14  }
0x246: {  	v19 =	vadd.bf16 v2, v19;
	v14 =	vand.u32 $0x7FFF7FFF, v18;
	v25 =	vadd.bf16 v3, v25;
	v15 =	vpop (erf);
	[tilespmem:s7+$0x11C30] =	vst v21  }
0x247: {  	v14 =	vmul.bf16 v0, v14;
	v10 =	vpack.i.f32.bf16 v10, v13;
	(erf) = vpow2.bf16 v20  }
0x248: {  	v20 =	vmul.bf16 v1, v15;
	v13 =	vand.u32 $0x7FFF7FFF, v10;
	v21 =	vmul.bf16 v25, v23  }
0x249: {  	v13 =	vmul.bf16 v0, v13;
	v23 =	vpack.i.f32.bf16 v24, v16;
	v16 =	vmax.bf16 v5, v4;
	v5 =	vmovc v17  }
0x24a: {  	v17 =	vand.u32 $0x7FFF7FFF, v23;
	(erf) = vpow2.bf16 v14;
	v16 =	vadd.bf16 v21, v16  }
.Ltmp6:
0x24b: {  	v20 =	vadd.bf16 v2, v20;
	v14 =	vadd.bf16 v2, v22;
	v17 =	vmul.bf16 v0, v17;
	(pc) =	sbr.rel @p0 .LBB2_13-.Ltmp6, $4  }
0x24c: {  	v19 =	vmul.bf16 v19, v12;
	(erf) = vpow2.bf16 v13;
	v21 =	vunpack.i.u.bf16.f32 v16  }
0x24d: {  	v22 =	vmul.bf16 v20, v15;
	v13 =	vmax.bf16 v18, v4;
	v18 =	vmul.bf16 v14, v11;
	[tilespmem:s2+$0x11C70] =	vst v21  }
0x24e: {  	s10 =	sshra.s32 s11, $0x2;
	v20 =	vadd.bf16 v3, v19;
	v14 =	vmax.bf16 v10, v4;
	(erf) = vpow2.bf16 v17  }
0x24f: {  	s11 =	sadd.s32 $0x200, s11;
	v10 =	vmax.bf16 v23, v4;
	v19 =	vadd.bf16 v3, v18;
	v18 =	vadd.bf16 v3, v22;
	v17 =	vld [tilespmem:s10+$0x5C60]  }
0x250: {  	v21 =	vld [tilespmem:s10+$0x5C70]  }
0x251: {  	v22 =	vunpack.i.l.bf16.f32 v9;
	v12 =	vmul.bf16 v20, v12  }
0x252: {  	v23 =	vld [tilespmem:s10+$0x5C00];
	v61 =	vunpack.i.u.bf16.f32 v9;
	[tilespmem:s7+$0x11C40] =	vst v22  }
0x253: {  	v62 =	vunpack.i.l.bf16.f32 v16;
	v22 =	vld [tilespmem:s10+$0x5C10];
	[tilespmem:s7+$0x11C50] =	vst v61;
	v8 =	vadd.bf16 v12, v8  }
0x254: {  	v63 =	vld [tilespmem:s10+$0x5C20];
	[tilespmem:s2+$0x11C60] =	vst v62  }
0x255: {  	v9 =	vld [tilespmem:s10+$0x5C30];
	v12 =	vunpack.i.l.bf16.f32 v8;
	v17 =	vpack.i.f32.bf16 v21, v17  }
0x256: {  	v28 =	vld [tilespmem:s10+$0x5C40];
	[tilespmem:s2+$0x11C00] =	vst v12;
	v29 =	vand.u32 $0x7FFF7FFF, v17  }
0x257: {  	v30 =	vld [tilespmem:s10+$0x5C50];
	v12 =	vmul.bf16 v0, v29  }
0x258: {  	v24 =	vpop (erf);
	v22 =	vpack.i.f32.bf16 v22, v23  }
0x259: {  	v31 =	vmul.bf16 v1, v24;
	v25 =	vand.u32 $0x7FFF7FFF, v22;
	(erf) = vpow2.bf16 v12  }
0x25a: {  	v11 =	vmul.bf16 v19, v11;
	v32 =	vmul.bf16 v0, v25;
	v9 =	vpack.i.f32.bf16 v9, v63  }
0x25b: {  	v15 =	vmul.bf16 v18, v15;
	v33 =	vadd.bf16 v2, v31;
	v34 =	vand.u32 $0x7FFF7FFF, v9  }
0x25c: {  	v35 =	vpop (erf);
	v18 =	vmul.bf16 v0, v34;
	v20 =	vpack.i.f32.bf16 v30, v28;
	(erf) = vpow2.bf16 v32  }
0x25d: {  	v5 =	vmax.bf16 v5, v4;
	v16 =	vmul.bf16 v33, v24;
	v38 =	vand.u32 $0x7FFF7FFF, v20  }
0x25e: {  	v6 =	vadd.bf16 v11, v6;
	v37 =	vpop (erf);
	v23 =	vmul.bf16 v0, v38;
	(erf) = vpow2.bf16 v18  }
0x25f: {  	v7 =	vadd.bf16 v15, v7;
	v36 =	vmul.bf16 v1, v35;
	v40 =	vmul.bf16 v1, v37  }
0x260: {  	v8 =	vunpack.i.u.bf16.f32 v8;
	v39 =	vpop (erf);
	v16 =	vadd.bf16 v3, v16;
	(erf) = vpow2.bf16 v23  }
0x261: {  	v42 =	vunpack.i.u.bf16.f32 v6;
	v12 =	vadd.bf16 v2, v36;
	v15 =	vadd.bf16 v2, v40  }
0x262: {  	v6 =	vunpack.i.l.bf16.f32 v6;
	v41 =	vmul.bf16 v1, v39;
	v16 =	vmul.bf16 v16, v24  }
0x263: {  	[tilespmem:s2+$0x11C20] =	vst v6;
	v6 =	vunpack.i.u.bf16.f32 v7;
	v12 =	vmul.bf16 v12, v35;
	v15 =	vmul.bf16 v15, v37;
	v43 =	vpop (erf)  }
0x264: {  	v5 =	vadd.bf16 v16, v5;
	v18 =	vadd.bf16 v2, v41;
	v44 =	vmul.bf16 v1, v43  }
0x265: {  	v7 =	vunpack.i.l.bf16.f32 v7;
	v12 =	vadd.bf16 v3, v12;
	v15 =	vadd.bf16 v3, v15  }
0x266: {  	v56 =	vmax.bf16 v17, v4;
	v18 =	vmul.bf16 v18, v39;
	v16 =	vadd.bf16 v2, v44  }
0x267: {  	[tilespmem:s2+$0x11C10] =	vst v8;
	v45 =	vunpack.i.u.bf16.f32 v5;
	v12 =	vmul.bf16 v12, v35;
	v15 =	vmul.bf16 v15, v37;
	v46 =	vpop (erf)  }
0x268: {  	[tilespmem:s2+$0x11C30] =	vst v42;
	v18 =	vadd.bf16 v3, v18;
	v47 =	vmul.bf16 v1, v46;
	v16 =	vmul.bf16 v16, v43  }
0x269: {  	v5 =	vunpack.i.l.bf16.f32 v5;
	[tilespmem:s13+$0x11C70] =	vst v45;
	v48 =	vadd.bf16 v12, v13;
	v49 =	vadd.bf16 v15, v14;
	v50 =	vpop (erf)  }
0x26a: {  	[tilespmem:s2+$0x11C40] =	vst v7;
	v7 =	vmul.bf16 v1, v50;
	v51 =	vadd.bf16 v2, v47;
	v53 =	vpop (erf);
	v52 =	vadd.bf16 v3, v16  }
0x26b: {  	[tilespmem:s2+$0x11C50] =	vst v6;
	v11 =	vmul.bf16 v18, v39;
	v8 =	vunpack.i.l.bf16.f32 v48;
	v54 =	vmul.bf16 v1, v53  }
0x26c: {  	[tilespmem:s13+$0x11C60] =	vst v5;
	v7 =	vadd.bf16 v2, v7;
	v14 =	vmul.bf16 v51, v46;
	v5 =	vmul.bf16 v52, v43  }
0x26d: {  	v6 =	vunpack.i.u.bf16.f32 v48;
	v55 =	vunpack.i.l.bf16.f32 v49;
	[tilespmem:s13+$0x11C00] =	vst v8;
	v57 =	vadd.bf16 v2, v54  }
0x26e: {  	[tilespmem:s13+$0x11C10] =	vst v6;
	v6 =	vmul.bf16 v7, v50;
	v7 =	vadd.bf16 v3, v14;
	v5 =	vadd.bf16 v5, v56  }
0x26f: {  	v58 =	vunpack.i.u.bf16.f32 v49;
	[tilespmem:s13+$0x11C20] =	vst v55;
	v10 =	vadd.bf16 v11, v10;
	v59 =	vmul.bf16 v57, v53  }
0x270: {  	[tilespmem:s13+$0x11C30] =	vst v58;
	v6 =	vadd.bf16 v3, v6;
	v7 =	vmul.bf16 v7, v46;
	v60 =	vunpack.i.u.bf16.f32 v5  }
0x271: {  	v61 =	vmax.bf16 v22, v4;
	v62 =	vunpack.i.l.bf16.f32 v10;
	v10 =	vunpack.i.u.bf16.f32 v10;
	[tilespmem:s10+$0x11C70] =	vst v60  }
0x272: {  	v8 =	vadd.bf16 v3, v59;
	v6 =	vmul.bf16 v6, v50;
	v7 =	vadd.bf16 v7, v61;
	[tilespmem:s13+$0x11C40] =	vst v62  }
0x273: {  	v9 =	vmax.bf16 v9, v4;
	v5 =	vunpack.i.l.bf16.f32 v5;
	[tilespmem:s13+$0x11C50] =	vst v10  }
0x274: {  	v8 =	vmul.bf16 v8, v53;
	v6 =	vadd.bf16 v6, v9;
	[tilespmem:s10+$0x11C60] =	vst v5;
	v5 =	vunpack.i.l.bf16.f32 v7  }
0x275: {  	v63 =	vmax.bf16 v20, v4;
	v7 =	vunpack.i.u.bf16.f32 v7;
	[tilespmem:s10+$0x11C00] =	vst v5  }
0x276: {  	v5 =	vadd.bf16 v8, v63;
	[tilespmem:s10+$0x11C10] =	vst v7;
	v7 =	vunpack.i.l.bf16.f32 v6  }
0x277: {  	v6 =	vunpack.i.u.bf16.f32 v6;
	[tilespmem:s10+$0x11C20] =	vst v7  }
0x278: {  	[tilespmem:s10+$0x11C30] =	vst v6;
	v6 =	vunpack.i.l.bf16.f32 v5  }
0x279: {  	v5 =	vunpack.i.u.bf16.f32 v5;
	[tilespmem:s10+$0x11C40] =	vst v6  }
0x27a: {  	s20 =	rddreg [dreg:$0x6];
	[tilespmem:s10+$0x11C50] =	vst v5  }
0x27b: {  	[hbm4b:s20+s4] =	stream.linear.scatter [tilespmem:s25], [sflag:$0x5], $0x4000, $0x38;
	[tilespmem:$0x19C00] =	vst v63  }
0x27c: {  	_ =	swait.ge [sflag:s31], $0x4000  }
0x27d: {  	[sflag:s31] =	ssyncset.done $0x0  }
0x27e: {  	s0 =	sadd.s32 $0x1, s0;
	[sflag:s31] =	ssyncadd.s32 $0xFFFFC000  }
0x27f: {  	p0 =	sne.s32 s0, s12;
	_ =	swait.ge [sflag:s29], $0x4000  }
.Ltmp7:
0x280: {  	[sflag:s29] =	ssyncset.done $0x0;
	(pc) =	sbr.rel @p0 .LBB2_1-.Ltmp7, $4  }
0x281: {  	[sflag:s29] =	ssyncadd.s32 $0xFFFFC000  }
0x282: {  	_ =	swait.ge [sflag:s30], $0x4000  }
0x283: {  	[sflag:s30] =	ssyncset.done $0x0  }
0x284: {  	[sflag:s30] =	ssyncadd.s32 $0xFFFFC000  }
0x285: {  	_ =	sfence.sel $0x180000  }
0x286: {  	[bflag:$0x0] =	sbarrier.arrive $0xFFFF  }
0x287: {  	_ =	strace $0x90000047  }
0x288: {  	s0 =	stileid.u32;
	[bflag:$0x2] =	sbarrier.arrive $0xFFFF  }
0x289: {  	p0 =	sne.s32 s0, $0x0;
	s0 =	rddreg [dreg:$0x3]  }
0x28a: {  	s0 =	sadd.s32 @!p0 $0x100000, s0  }
0x28b: {  	[sflag:s0] =	ssyncadd.tile.s32 @!p0 $0x1;
	_ =	shalt  }
.Lfunc_end2:
_tile_overlayer_lowered:
.L_overlay_start_2:
0x28c: {  	(tag) =	ssettag $0x2  }
0x28d: {  	s0 =	rddreg [dreg:$0x0];
	s2 =	stileid.u32  }
0x28e: {  	s1 =	rddreg [dreg:$0x1];
	p0 =	sne.s32 s2, $0x0  }
0x28f: {  	s3 =	rddreg [dreg:$0x2];
	[bflag:$0x3] =	sbarrier.arrive $0xFFFF;
	s2 =	simm.s32 @!p0 $0x1C07  }
0x290: {  	[timem:s3], [sflag:s2] =	dma.local @!p0 [hbm:s0], s1  }
0x291: {  	s0 =	simm.s32 @!p0 $0x7  }
0x292: {  	_ =	swait.ge @!p0 [sflag:s0], s1  }
0x293: {  	s1 =	ssub.s32 @!p0 $0x0, s1;
	[sflag:s0] =	ssyncset.done @!p0 $0x0  }
0x294: {  	[sflag:s0] =	ssyncadd.s32 @!p0 s1  }
0x295: {  	[bflag:$0x3] =	sbarrier.arrive $0xFFFF  }
0x296: {  	_ =	shalt  }

</sc_bundles>
